<compile_context>
chip_gen: v7x
topology: tpu7x:2x2x1
jax: 0.10.2.dev20260603
libtpu: 0.0.44.dev20260713+nightly
codegen_flags: <defaults>
</compile_context>

<pallas_src>
import functools

import jax
import jax.numpy as jnp
from jax import lax
from jax.experimental import pallas as pl
from jax.experimental.pallas import tpu as pltpu
from jax.experimental.pallas import tpu_sc as plsc

SRC_H, SRC_W = 1024, 1024
TGT_H, TGT_W = 1024, 1024
SH, SW = SRC_H // 2, SRC_W // 2
B = 16
NW = 32
RPI = 16
HALVES = SRC_H // (NW * RPI)
GROUPS = (RPI // 2) * (SRC_W // 16)
N_ITEMS = B * HALVES

_mesh = plsc.VectorSubcoreMesh(core_axis_name="c", subcore_axis_name="s")


@functools.partial(
    pl.kernel,
    out_type=jax.ShapeDtypeStruct((B, TGT_H, TGT_W), jnp.float32),
    mesh=_mesh,
    scratch_types=[
        pltpu.VMEM((RPI * SRC_W,), jnp.float32),
        pltpu.VMEM((RPI * SW,), jnp.float32),
        pltpu.VMEM((RPI // 2, SRC_W), jnp.float32),
        pltpu.VMEM((RPI // 2, SRC_W), jnp.float32),
        pltpu.VMEM((RPI, SRC_W), jnp.float32),
        pltpu.VMEM((RPI, SRC_W), jnp.float32),
        pltpu.SemaphoreType.DMA,
        pltpu.SemaphoreType.DMA,
        pltpu.SemaphoreType.DMA,
        pltpu.SemaphoreType.DMA,
    ],
    compiler_params=pltpu.CompilerParams(use_tc_tiling_on_sc=True,
                                         needs_layout_passes=False),
)
def _sc_run(spikes_hbm, w_hbm, out_hbm, w_v, w_raw, in0, in1, out0, out1,
            isem0, isem1, osem0, osem1):
    wid = lax.axis_index("s") * 2 + lax.axis_index("c")
    ins = (in0, in1)
    outs = (out0, out1)
    isems = (isem0, isem1)
    osems = (osem0, osem1)
    r_base = wid * (RPI * HALVES)

    def start_in(n, p):
        bb = lax.shift_right_logical(n, 1)
        r = r_base + (n & 1) * RPI
        for i in range(RPI // 2):
            pltpu.async_copy(spikes_hbm.at[bb, r + 2 * i, :],
                             ins[p].at[i, :], isems[p])

    start_in(0, 0)
    start_in(1, 1)

    pltpu.sync_copy(w_hbm.at[pl.ds(wid * (RPI * SW), RPI * SW)], w_raw)

    @plsc.parallel_loop(0, RPI * SRC_W // 16, unroll=8)
    def _wzero(k):
        w_v[pl.ds(k * 16, 16)] = jnp.zeros((16,), jnp.float32)

    _iota2 = 2 * lax.iota(jnp.int32, 16)

    @plsc.parallel_loop(0, RPI * SW // 16, unroll=8)
    def _wfill(g):
        row = lax.shift_right_logical(g, 5)
        base = row * SRC_W + (g & 31) * 32
        vals = w_raw[pl.ds(g * 16, 16)]
        plsc.store_scatter(w_v, [base + _iota2], vals)

    @plsc.parallel_loop(0, GROUPS, unroll=8)
    def _zero(k):
        row = 2 * lax.shift_right_logical(k, 6) + 1
        col = (k & 63) * 16
        z = jnp.zeros((16,), jnp.float32)
        out0[row, pl.ds(col, 16)] = z
        out1[row, pl.ds(col, 16)] = z

    def wait_in(p):
        pltpu.make_async_copy(spikes_hbm.at[0, pl.ds(0, RPI // 2), :],
                              ins[p], isems[p]).wait()

    def wait_out(p):
        pltpu.make_async_copy(outs[p], out_hbm.at[0, pl.ds(0, RPI), :],
                              osems[p]).wait()

    def step(n, p):
        bb = lax.shift_right_logical(n, 1)
        h = n & 1
        r = r_base + h * RPI

        @pl.when(n >= 2)
        def _():
            wait_out(p)

        wait_in(p)
        in_b, out_b = ins[p], outs[p]
        wbase = h * (RPI // 2)

        @plsc.parallel_loop(0, GROUPS, unroll=8)
        def _mul(k):
            i = lax.shift_right_logical(k, 6)
            col = (k & 63) * 16
            out_b[2 * i, pl.ds(col, 16)] = (
                in_b[i, pl.ds(col, 16)]
                * w_v[pl.ds((wbase + i) * SRC_W + col, 16)])

        pltpu.async_copy(out_b, out_hbm.at[bb, pl.ds(r, RPI), :], osems[p])

        @pl.when(n + 2 < N_ITEMS)
        def _():
            start_in(n + 2, p)

    def body(g, carry):
        step(2 * g, 0)
        step(2 * g + 1, 1)
        return carry

    lax.fori_loop(0, N_ITEMS // 2, body, 0)
    wait_out(0)
    wait_out(1)


def kernel(node_spikes_A, weights, source_indices, target_indices):
    return _sc_run(node_spikes_A, weights)

# --- scband reference (transcript-rebuilt; emitter-appended) ---
"""Pipeline reference for scband-scssystem-53781580480530 (READ-ONLY COPY).

The authoritative reference and input builder live on the scoring server;
editing this copy changes nothing except your own understanding.
"""

import jax, jax.numpy as jnp
import numpy as np

SRC_H, SRC_W = 1024, 1024
TGT_H, TGT_W = 1024, 1024
STRIDE = 2
BATCH = 16


def _build_indices():
    # Vectorized replication of AxonalConnections._create_stride_connection
    s_h = SRC_H // STRIDE
    s_w = SRC_W // STRIDE
    t_sh = TGT_H // s_h if s_h > 0 else TGT_H
    t_sw = TGT_W // s_w if s_w > 0 else TGT_W
    n_i = min(s_h, TGT_H // t_sh)
    n_j = min(s_w, TGT_W // t_sw)
    ii, jj = np.meshgrid(np.arange(n_i), np.arange(n_j), indexing='ij')
    src_i = ii * STRIDE
    src_j = jj * STRIDE
    tgt_i = ii * t_sh
    tgt_j = jj * t_sw
    valid = (src_i < SRC_H) & (src_j < SRC_W) & (tgt_i < TGT_H) & (tgt_j < TGT_W)
    src_idx = (src_i * SRC_W + src_j)[valid].astype(np.int64)
    tgt_idx = (tgt_i * TGT_W + tgt_j)[valid].astype(np.int64)
    return src_idx, tgt_idx


def setup_inputs(seed: int = 0) -> dict:
    key = jax.random.key(seed)
    k1, k2 = jax.random.split(key)
    node_spikes_A = jax.random.uniform(k1, (BATCH, SRC_H, SRC_W), dtype=jnp.float32)
    src_idx, tgt_idx = _build_indices()
    n_conn = src_idx.shape[0]
    # weight = abs(randn * 0.3 + weight_scale), weight_scale = 1.0
    weights = jnp.abs(jax.random.normal(k2, (n_conn,), dtype=jnp.float32) * 0.3 + 1.0)
    return {
        'node_spikes_A': node_spikes_A,
        'weights': weights,
        'source_indices': jnp.asarray(src_idx),
        'target_indices': jnp.asarray(tgt_idx),
    }


def reference(node_spikes_A, weights, source_indices, target_indices):
    # AxonalConnections.forward for connection A->B (sparse gather + weighted scatter-add)
    b = node_spikes_A.shape[0]
    flat_spikes = node_spikes_A.reshape(b, -1)
    source_values = jnp.take(flat_spikes, source_indices, axis=1)  # [B, n_conn]
    weighted_values = source_values * weights[None, :]
    target_size = TGT_H * TGT_W
    output = jnp.zeros((b, target_size), dtype=flat_spikes.dtype)
    output = output.at[:, target_indices].add(weighted_values)
    return output.reshape(b, TGT_H, TGT_W)

if __name__ == "__main__":
    import jax
    _d = setup_inputs()
    print(jax.jit(kernel)(*tuple(_d.values())))

</pallas_src>

<mosaic_0001>
#map = affine_map<(d0, d1) -> (0, 0, 0)>
#map1 = affine_map<(d0, d1) -> (0)>
module attributes {stable_mosaic.version = 14 : i64} {
  func.func @_sc_run(%arg0: i32, %arg1: i32, %arg2: memref<16x1024x1024xf32, #tpu.memory_space<hbm>>, %arg3: memref<262144xf32, #tpu.memory_space<hbm>>, %arg4: memref<16x1024x1024xf32, #tpu.memory_space<hbm>>, %arg5: memref<16384xf32, #tpu.memory_space<vmem>>, %arg6: memref<8192xf32, #tpu.memory_space<vmem>>, %arg7: memref<8x1024xf32, #tpu.memory_space<vmem>>, %arg8: memref<8x1024xf32, #tpu.memory_space<vmem>>, %arg9: memref<16x1024xf32, #tpu.memory_space<vmem>>, %arg10: memref<16x1024xf32, #tpu.memory_space<vmem>>, %arg11: memref<!tpu.dma_semaphore, #tpu.memory_space<semaphore_mem>>, %arg12: memref<!tpu.dma_semaphore, #tpu.memory_space<semaphore_mem>>, %arg13: memref<!tpu.dma_semaphore, #tpu.memory_space<semaphore_mem>>, %arg14: memref<!tpu.dma_semaphore, #tpu.memory_space<semaphore_mem>>) attributes {dimension_semantics = [#tpu.dimension_semantics<core_parallel>, #tpu.dimension_semantics<subcore_parallel>], iteration_bounds = array<i64: 2, 16>, scalar_prefetch = 0 : i64, scratch_operands = 10 : i64, tpu.core_type = #tpu.core_type<sc_vector_subcore>, window_params = [{transform_indices = #map}, {transform_indices = #map1}, {transform_indices = #map}]} {
    %mul3A = arith.constant 2 : i32
    %mul3A_0 = arith.muli %arg1, %mul3A : i32
    %add3A = arith.addi %mul3A_0, %arg0 : i32
    %mul3A_1 = arith.constant 32 : i32
    %mul3A_2 = arith.muli %add3A, %mul3A_1 : i32
    %shift_right_logical3A = arith.constant 0 : i32
    %shift_right_logical3A_3 = arith.constant 1 : i32
    %shift_right_logical3A_4 = arith.shrui %shift_right_logical3A, %shift_right_logical3A_3 : i32
    %add3A_5 = arith.constant 0 : i32
    %add3A_6 = arith.addi %mul3A_2, %add3A_5 : i32
    %add3A_7 = arith.constant 0 : i32
    %add3A_8 = arith.addi %add3A_6, %add3A_7 : i32
    %dma_start3A = arith.constant 0 : i32
    %dma_start3A_9 = arith.constant 0 : i32
    %dma_start3A_10 = tpu.memref_slice %arg7[%dma_start3A, %dma_start3A_9] : memref<8x1024xf32, #tpu.memory_space<vmem>> -> memref<1x1024xf32, #tpu.memory_space<vmem>>
    %dma_start3A_11 = tpu.memref_squeeze %dma_start3A_10 : memref<1x1024xf32, #tpu.memory_space<vmem>> -> memref<1024xf32, #tpu.memory_space<vmem>>
    %dma_start3A_12 = arith.constant 0 : i32
    %dma_start3A_13 = tpu.memref_slice %arg2[%shift_right_logical3A_4, %add3A_8, %dma_start3A_12] : memref<16x1024x1024xf32, #tpu.memory_space<hbm>> -> memref<1x1x1024xf32, #tpu.memory_space<hbm>>
    %dma_start3A_14 = tpu.memref_squeeze %dma_start3A_13 : memref<1x1x1024xf32, #tpu.memory_space<hbm>> -> memref<1024xf32, #tpu.memory_space<hbm>>
    %dma_start3A_15 = arith.constant 0 : i32
    %dma_start3A_16 = tpu.memref_slice %arg7[%dma_start3A, %dma_start3A_15] : memref<8x1024xf32, #tpu.memory_space<vmem>> -> memref<1x1024xf32, #tpu.memory_space<vmem>>
    %dma_start3A_17 = tpu.memref_squeeze %dma_start3A_16 : memref<1x1024xf32, #tpu.memory_space<vmem>> -> memref<1024xf32, #tpu.memory_space<vmem>>
    %dma_start3A_18 = arith.constant 0 : i32
    %dma_start3A_19 = tpu.memref_slice %arg2[%shift_right_logical3A_4, %add3A_8, %dma_start3A_18] : memref<16x1024x1024xf32, #tpu.memory_space<hbm>> -> memref<1x1x1024xf32, #tpu.memory_space<hbm>>
    %dma_start3A_20 = tpu.memref_squeeze %dma_start3A_19 : memref<1x1x1024xf32, #tpu.memory_space<hbm>> -> memref<1024xf32, #tpu.memory_space<hbm>>
    tpu.enqueue_dma source(%dma_start3A_20 : memref<1024xf32, #tpu.memory_space<hbm>>) target(%dma_start3A_17 : memref<1024xf32, #tpu.memory_space<vmem>>) target_semaphore(%arg11 : memref<!tpu.dma_semaphore, #tpu.memory_space<semaphore_mem>>)
    %add3A_21 = arith.constant 2 : i32
    %add3A_22 = arith.addi %add3A_6, %add3A_21 : i32
    %dma_start3A_23 = arith.constant 1 : i32
    %dma_start3A_24 = arith.constant 0 : i32
    %dma_start3A_25 = tpu.memref_slice %arg7[%dma_start3A_23, %dma_start3A_24] : memref<8x1024xf32, #tpu.memory_space<vmem>> -> memref<1x1024xf32, #tpu.memory_space<vmem>>
    %dma_start3A_26 = tpu.memref_squeeze %dma_start3A_25 : memref<1x1024xf32, #tpu.memory_space<vmem>> -> memref<1024xf32, #tpu.memory_space<vmem>>
    %dma_start3A_27 = arith.constant 0 : i32
    %dma_start3A_28 = tpu.memref_slice %arg2[%shift_right_logical3A_4, %add3A_22, %dma_start3A_27] : memref<16x1024x1024xf32, #tpu.memory_space<hbm>> -> memref<1x1x1024xf32, #tpu.memory_space<hbm>>
    %dma_start3A_29 = tpu.memref_squeeze %dma_start3A_28 : memref<1x1x1024xf32, #tpu.memory_space<hbm>> -> memref<1024xf32, #tpu.memory_space<hbm>>
    %dma_start3A_30 = arith.constant 0 : i32
    %dma_start3A_31 = tpu.memref_slice %arg7[%dma_start3A_23, %dma_start3A_30] : memref<8x1024xf32, #tpu.memory_space<vmem>> -> memref<1x1024xf32, #tpu.memory_space<vmem>>
    %dma_start3A_32 = tpu.memref_squeeze %dma_start3A_31 : memref<1x1024xf32, #tpu.memory_space<vmem>> -> memref<1024xf32, #tpu.memory_space<vmem>>
    %dma_start3A_33 = arith.constant 0 : i32
    %dma_start3A_34 = tpu.memref_slice %arg2[%shift_right_logical3A_4, %add3A_22, %dma_start3A_33] : memref<16x1024x1024xf32, #tpu.memory_space<hbm>> -> memref<1x1x1024xf32, #tpu.memory_space<hbm>>
    %dma_start3A_35 = tpu.memref_squeeze %dma_start3A_34 : memref<1x1x1024xf32, #tpu.memory_space<hbm>> -> memref<1024xf32, #tpu.memory_space<hbm>>
    tpu.enqueue_dma source(%dma_start3A_35 : memref<1024xf32, #tpu.memory_space<hbm>>) target(%dma_start3A_32 : memref<1024xf32, #tpu.memory_space<vmem>>) target_semaphore(%arg11 : memref<!tpu.dma_semaphore, #tpu.memory_space<semaphore_mem>>)
    %add3A_36 = arith.constant 4 : i32
    %add3A_37 = arith.addi %add3A_6, %add3A_36 : i32
    %dma_start3A_38 = arith.constant 2 : i32
    %dma_start3A_39 = arith.constant 0 : i32
    %dma_start3A_40 = tpu.memref_slice %arg7[%dma_start3A_38, %dma_start3A_39] : memref<8x1024xf32, #tpu.memory_space<vmem>> -> memref<1x1024xf32, #tpu.memory_space<vmem>>
    %dma_start3A_41 = tpu.memref_squeeze %dma_start3A_40 : memref<1x1024xf32, #tpu.memory_space<vmem>> -> memref<1024xf32, #tpu.memory_space<vmem>>
    %dma_start3A_42 = arith.constant 0 : i32
    %dma_start3A_43 = tpu.memref_slice %arg2[%shift_right_logical3A_4, %add3A_37, %dma_start3A_42] : memref<16x1024x1024xf32, #tpu.memory_space<hbm>> -> memref<1x1x1024xf32, #tpu.memory_space<hbm>>
    %dma_start3A_44 = tpu.memref_squeeze %dma_start3A_43 : memref<1x1x1024xf32, #tpu.memory_space<hbm>> -> memref<1024xf32, #tpu.memory_space<hbm>>
    %dma_start3A_45 = arith.constant 0 : i32
    %dma_start3A_46 = tpu.memref_slice %arg7[%dma_start3A_38, %dma_start3A_45] : memref<8x1024xf32, #tpu.memory_space<vmem>> -> memref<1x1024xf32, #tpu.memory_space<vmem>>
    %dma_start3A_47 = tpu.memref_squeeze %dma_start3A_46 : memref<1x1024xf32, #tpu.memory_space<vmem>> -> memref<1024xf32, #tpu.memory_space<vmem>>
    %dma_start3A_48 = arith.constant 0 : i32
    %dma_start3A_49 = tpu.memref_slice %arg2[%shift_right_logical3A_4, %add3A_37, %dma_start3A_48] : memref<16x1024x1024xf32, #tpu.memory_space<hbm>> -> memref<1x1x1024xf32, #tpu.memory_space<hbm>>
    %dma_start3A_50 = tpu.memref_squeeze %dma_start3A_49 : memref<1x1x1024xf32, #tpu.memory_space<hbm>> -> memref<1024xf32, #tpu.memory_space<hbm>>
    tpu.enqueue_dma source(%dma_start3A_50 : memref<1024xf32, #tpu.memory_space<hbm>>) target(%dma_start3A_47 : memref<1024xf32, #tpu.memory_space<vmem>>) target_semaphore(%arg11 : memref<!tpu.dma_semaphore, #tpu.memory_space<semaphore_mem>>)
    %add3A_51 = arith.constant 6 : i32
    %add3A_52 = arith.addi %add3A_6, %add3A_51 : i32
    %dma_start3A_53 = arith.constant 3 : i32
    %dma_start3A_54 = arith.constant 0 : i32
    %dma_start3A_55 = tpu.memref_slice %arg7[%dma_start3A_53, %dma_start3A_54] : memref<8x1024xf32, #tpu.memory_space<vmem>> -> memref<1x1024xf32, #tpu.memory_space<vmem>>
    %dma_start3A_56 = tpu.memref_squeeze %dma_start3A_55 : memref<1x1024xf32, #tpu.memory_space<vmem>> -> memref<1024xf32, #tpu.memory_space<vmem>>
    %dma_start3A_57 = arith.constant 0 : i32
    %dma_start3A_58 = tpu.memref_slice %arg2[%shift_right_logical3A_4, %add3A_52, %dma_start3A_57] : memref<16x1024x1024xf32, #tpu.memory_space<hbm>> -> memref<1x1x1024xf32, #tpu.memory_space<hbm>>
    %dma_start3A_59 = tpu.memref_squeeze %dma_start3A_58 : memref<1x1x1024xf32, #tpu.memory_space<hbm>> -> memref<1024xf32, #tpu.memory_space<hbm>>
    %dma_start3A_60 = arith.constant 0 : i32
    %dma_start3A_61 = tpu.memref_slice %arg7[%dma_start3A_53, %dma_start3A_60] : memref<8x1024xf32, #tpu.memory_space<vmem>> -> memref<1x1024xf32, #tpu.memory_space<vmem>>
    %dma_start3A_62 = tpu.memref_squeeze %dma_start3A_61 : memref<1x1024xf32, #tpu.memory_space<vmem>> -> memref<1024xf32, #tpu.memory_space<vmem>>
    %dma_start3A_63 = arith.constant 0 : i32
    %dma_start3A_64 = tpu.memref_slice %arg2[%shift_right_logical3A_4, %add3A_52, %dma_start3A_63] : memref<16x1024x1024xf32, #tpu.memory_space<hbm>> -> memref<1x1x1024xf32, #tpu.memory_space<hbm>>
    %dma_start3A_65 = tpu.memref_squeeze %dma_start3A_64 : memref<1x1x1024xf32, #tpu.memory_space<hbm>> -> memref<1024xf32, #tpu.memory_space<hbm>>
    tpu.enqueue_dma source(%dma_start3A_65 : memref<1024xf32, #tpu.memory_space<hbm>>) target(%dma_start3A_62 : memref<1024xf32, #tpu.memory_space<vmem>>) target_semaphore(%arg11 : memref<!tpu.dma_semaphore, #tpu.memory_space<semaphore_mem>>)
    %add3A_66 = arith.constant 8 : i32
    %add3A_67 = arith.addi %add3A_6, %add3A_66 : i32
    %dma_start3A_68 = arith.constant 4 : i32
    %dma_start3A_69 = arith.constant 0 : i32
    %dma_start3A_70 = tpu.memref_slice %arg7[%dma_start3A_68, %dma_start3A_69] : memref<8x1024xf32, #tpu.memory_space<vmem>> -> memref<1x1024xf32, #tpu.memory_space<vmem>>
    %dma_start3A_71 = tpu.memref_squeeze %dma_start3A_70 : memref<1x1024xf32, #tpu.memory_space<vmem>> -> memref<1024xf32, #tpu.memory_space<vmem>>
    %dma_start3A_72 = arith.constant 0 : i32
    %dma_start3A_73 = tpu.memref_slice %arg2[%shift_right_logical3A_4, %add3A_67, %dma_start3A_72] : memref<16x1024x1024xf32, #tpu.memory_space<hbm>> -> memref<1x1x1024xf32, #tpu.memory_space<hbm>>
    %dma_start3A_74 = tpu.memref_squeeze %dma_start3A_73 : memref<1x1x1024xf32, #tpu.memory_space<hbm>> -> memref<1024xf32, #tpu.memory_space<hbm>>
    %dma_start3A_75 = arith.constant 0 : i32
    %dma_start3A_76 = tpu.memref_slice %arg7[%dma_start3A_68, %dma_start3A_75] : memref<8x1024xf32, #tpu.memory_space<vmem>> -> memref<1x1024xf32, #tpu.memory_space<vmem>>
    %dma_start3A_77 = tpu.memref_squeeze %dma_start3A_76 : memref<1x1024xf32, #tpu.memory_space<vmem>> -> memref<1024xf32, #tpu.memory_space<vmem>>
    %dma_start3A_78 = arith.constant 0 : i32
    %dma_start3A_79 = tpu.memref_slice %arg2[%shift_right_logical3A_4, %add3A_67, %dma_start3A_78] : memref<16x1024x1024xf32, #tpu.memory_space<hbm>> -> memref<1x1x1024xf32, #tpu.memory_space<hbm>>
    %dma_start3A_80 = tpu.memref_squeeze %dma_start3A_79 : memref<1x1x1024xf32, #tpu.memory_space<hbm>> -> memref<1024xf32, #tpu.memory_space<hbm>>
    tpu.enqueue_dma source(%dma_start3A_80 : memref<1024xf32, #tpu.memory_space<hbm>>) target(%dma_start3A_77 : memref<1024xf32, #tpu.memory_space<vmem>>) target_semaphore(%arg11 : memref<!tpu.dma_semaphore, #tpu.memory_space<semaphore_mem>>)
    %add3A_81 = arith.constant 10 : i32
    %add3A_82 = arith.addi %add3A_6, %add3A_81 : i32
    %dma_start3A_83 = arith.constant 5 : i32
    %dma_start3A_84 = arith.constant 0 : i32
    %dma_start3A_85 = tpu.memref_slice %arg7[%dma_start3A_83, %dma_start3A_84] : memref<8x1024xf32, #tpu.memory_space<vmem>> -> memref<1x1024xf32, #tpu.memory_space<vmem>>
    %dma_start3A_86 = tpu.memref_squeeze %dma_start3A_85 : memref<1x1024xf32, #tpu.memory_space<vmem>> -> memref<1024xf32, #tpu.memory_space<vmem>>
    %dma_start3A_87 = arith.constant 0 : i32
    %dma_start3A_88 = tpu.memref_slice %arg2[%shift_right_logical3A_4, %add3A_82, %dma_start3A_87] : memref<16x1024x1024xf32, #tpu.memory_space<hbm>> -> memref<1x1x1024xf32, #tpu.memory_space<hbm>>
    %dma_start3A_89 = tpu.memref_squeeze %dma_start3A_88 : memref<1x1x1024xf32, #tpu.memory_space<hbm>> -> memref<1024xf32, #tpu.memory_space<hbm>>
    %dma_start3A_90 = arith.constant 0 : i32
    %dma_start3A_91 = tpu.memref_slice %arg7[%dma_start3A_83, %dma_start3A_90] : memref<8x1024xf32, #tpu.memory_space<vmem>> -> memref<1x1024xf32, #tpu.memory_space<vmem>>
    %dma_start3A_92 = tpu.memref_squeeze %dma_start3A_91 : memref<1x1024xf32, #tpu.memory_space<vmem>> -> memref<1024xf32, #tpu.memory_space<vmem>>
    %dma_start3A_93 = arith.constant 0 : i32
    %dma_start3A_94 = tpu.memref_slice %arg2[%shift_right_logical3A_4, %add3A_82, %dma_start3A_93] : memref<16x1024x1024xf32, #tpu.memory_space<hbm>> -> memref<1x1x1024xf32, #tpu.memory_space<hbm>>
    %dma_start3A_95 = tpu.memref_squeeze %dma_start3A_94 : memref<1x1x1024xf32, #tpu.memory_space<hbm>> -> memref<1024xf32, #tpu.memory_space<hbm>>
    tpu.enqueue_dma source(%dma_start3A_95 : memref<1024xf32, #tpu.memory_space<hbm>>) target(%dma_start3A_92 : memref<1024xf32, #tpu.memory_space<vmem>>) target_semaphore(%arg11 : memref<!tpu.dma_semaphore, #tpu.memory_space<semaphore_mem>>)
    %add3A_96 = arith.constant 12 : i32
    %add3A_97 = arith.addi %add3A_6, %add3A_96 : i32
    %dma_start3A_98 = arith.constant 6 : i32
    %dma_start3A_99 = arith.constant 0 : i32
    %dma_start3A_100 = tpu.memref_slice %arg7[%dma_start3A_98, %dma_start3A_99] : memref<8x1024xf32, #tpu.memory_space<vmem>> -> memref<1x1024xf32, #tpu.memory_space<vmem>>
    %dma_start3A_101 = tpu.memref_squeeze %dma_start3A_100 : memref<1x1024xf32, #tpu.memory_space<vmem>> -> memref<1024xf32, #tpu.memory_space<vmem>>
    %dma_start3A_102 = arith.constant 0 : i32
    %dma_start3A_103 = tpu.memref_slice %arg2[%shift_right_logical3A_4, %add3A_97, %dma_start3A_102] : memref<16x1024x1024xf32, #tpu.memory_space<hbm>> -> memref<1x1x1024xf32, #tpu.memory_space<hbm>>
    %dma_start3A_104 = tpu.memref_squeeze %dma_start3A_103 : memref<1x1x1024xf32, #tpu.memory_space<hbm>> -> memref<1024xf32, #tpu.memory_space<hbm>>
    %dma_start3A_105 = arith.constant 0 : i32
    %dma_start3A_106 = tpu.memref_slice %arg7[%dma_start3A_98, %dma_start3A_105] : memref<8x1024xf32, #tpu.memory_space<vmem>> -> memref<1x1024xf32, #tpu.memory_space<vmem>>
    %dma_start3A_107 = tpu.memref_squeeze %dma_start3A_106 : memref<1x1024xf32, #tpu.memory_space<vmem>> -> memref<1024xf32, #tpu.memory_space<vmem>>
    %dma_start3A_108 = arith.constant 0 : i32
    %dma_start3A_109 = tpu.memref_slice %arg2[%shift_right_logical3A_4, %add3A_97, %dma_start3A_108] : memref<16x1024x1024xf32, #tpu.memory_space<hbm>> -> memref<1x1x1024xf32, #tpu.memory_space<hbm>>
    %dma_start3A_110 = tpu.memref_squeeze %dma_start3A_109 : memref<1x1x1024xf32, #tpu.memory_space<hbm>> -> memref<1024xf32, #tpu.memory_space<hbm>>
    tpu.enqueue_dma source(%dma_start3A_110 : memref<1024xf32, #tpu.memory_space<hbm>>) target(%dma_start3A_107 : memref<1024xf32, #tpu.memory_space<vmem>>) target_semaphore(%arg11 : memref<!tpu.dma_semaphore, #tpu.memory_space<semaphore_mem>>)
    %add3A_111 = arith.constant 14 : i32
    %add3A_112 = arith.addi %add3A_6, %add3A_111 : i32
    %dma_start3A_113 = arith.constant 7 : i32
    %dma_start3A_114 = arith.constant 0 : i32
    %dma_start3A_115 = tpu.memref_slice %arg7[%dma_start3A_113, %dma_start3A_114] : memref<8x1024xf32, #tpu.memory_space<vmem>> -> memref<1x1024xf32, #tpu.memory_space<vmem>>
    %dma_start3A_116 = tpu.memref_squeeze %dma_start3A_115 : memref<1x1024xf32, #tpu.memory_space<vmem>> -> memref<1024xf32, #tpu.memory_space<vmem>>
    %dma_start3A_117 = arith.constant 0 : i32
    %dma_start3A_118 = tpu.memref_slice %arg2[%shift_right_logical3A_4, %add3A_112, %dma_start3A_117] : memref<16x1024x1024xf32, #tpu.memory_space<hbm>> -> memref<1x1x1024xf32, #tpu.memory_space<hbm>>
    %dma_start3A_119 = tpu.memref_squeeze %dma_start3A_118 : memref<1x1x1024xf32, #tpu.memory_space<hbm>> -> memref<1024xf32, #tpu.memory_space<hbm>>
    %dma_start3A_120 = arith.constant 0 : i32
    %dma_start3A_121 = tpu.memref_slice %arg7[%dma_start3A_113, %dma_start3A_120] : memref<8x1024xf32, #tpu.memory_space<vmem>> -> memref<1x1024xf32, #tpu.memory_space<vmem>>
    %dma_start3A_122 = tpu.memref_squeeze %dma_start3A_121 : memref<1x1024xf32, #tpu.memory_space<vmem>> -> memref<1024xf32, #tpu.memory_space<vmem>>
    %dma_start3A_123 = arith.constant 0 : i32
    %dma_start3A_124 = tpu.memref_slice %arg2[%shift_right_logical3A_4, %add3A_112, %dma_start3A_123] : memref<16x1024x1024xf32, #tpu.memory_space<hbm>> -> memref<1x1x1024xf32, #tpu.memory_space<hbm>>
    %dma_start3A_125 = tpu.memref_squeeze %dma_start3A_124 : memref<1x1x1024xf32, #tpu.memory_space<hbm>> -> memref<1024xf32, #tpu.memory_space<hbm>>
    tpu.enqueue_dma source(%dma_start3A_125 : memref<1024xf32, #tpu.memory_space<hbm>>) target(%dma_start3A_122 : memref<1024xf32, #tpu.memory_space<vmem>>) target_semaphore(%arg11 : memref<!tpu.dma_semaphore, #tpu.memory_space<semaphore_mem>>)
    %shift_right_logical3A_126 = arith.constant 1 : i32
    %shift_right_logical3A_127 = arith.constant 1 : i32
    %shift_right_logical3A_128 = arith.shrui %shift_right_logical3A_126, %shift_right_logical3A_127 : i32
    %add3A_129 = arith.constant 16 : i32
    %add3A_130 = arith.addi %mul3A_2, %add3A_129 : i32
    %add3A_131 = arith.constant 0 : i32
    %add3A_132 = arith.addi %add3A_130, %add3A_131 : i32
    %dma_start3A_133 = arith.constant 0 : i32
    %dma_start3A_134 = arith.constant 0 : i32
    %dma_start3A_135 = tpu.memref_slice %arg8[%dma_start3A_133, %dma_start3A_134] : memref<8x1024xf32, #tpu.memory_space<vmem>> -> memref<1x1024xf32, #tpu.memory_space<vmem>>
    %dma_start3A_136 = tpu.memref_squeeze %dma_start3A_135 : memref<1x1024xf32, #tpu.memory_space<vmem>> -> memref<1024xf32, #tpu.memory_space<vmem>>
    %dma_start3A_137 = arith.constant 0 : i32
    %dma_start3A_138 = tpu.memref_slice %arg2[%shift_right_logical3A_128, %add3A_132, %dma_start3A_137] : memref<16x1024x1024xf32, #tpu.memory_space<hbm>> -> memref<1x1x1024xf32, #tpu.memory_space<hbm>>
    %dma_start3A_139 = tpu.memref_squeeze %dma_start3A_138 : memref<1x1x1024xf32, #tpu.memory_space<hbm>> -> memref<1024xf32, #tpu.memory_space<hbm>>
    %dma_start3A_140 = arith.constant 0 : i32
    %dma_start3A_141 = tpu.memref_slice %arg8[%dma_start3A_133, %dma_start3A_140] : memref<8x1024xf32, #tpu.memory_space<vmem>> -> memref<1x1024xf32, #tpu.memory_space<vmem>>
    %dma_start3A_142 = tpu.memref_squeeze %dma_start3A_141 : memref<1x1024xf32, #tpu.memory_space<vmem>> -> memref<1024xf32, #tpu.memory_space<vmem>>
    %dma_start3A_143 = arith.constant 0 : i32
    %dma_start3A_144 = tpu.memref_slice %arg2[%shift_right_logical3A_128, %add3A_132, %dma_start3A_143] : memref<16x1024x1024xf32, #tpu.memory_space<hbm>> -> memref<1x1x1024xf32, #tpu.memory_space<hbm>>
    %dma_start3A_145 = tpu.memref_squeeze %dma_start3A_144 : memref<1x1x1024xf32, #tpu.memory_space<hbm>> -> memref<1024xf32, #tpu.memory_space<hbm>>
    tpu.enqueue_dma source(%dma_start3A_145 : memref<1024xf32, #tpu.memory_space<hbm>>) target(%dma_start3A_142 : memref<1024xf32, #tpu.memory_space<vmem>>) target_semaphore(%arg12 : memref<!tpu.dma_semaphore, #tpu.memory_space<semaphore_mem>>)
    %add3A_146 = arith.constant 2 : i32
    %add3A_147 = arith.addi %add3A_130, %add3A_146 : i32
    %dma_start3A_148 = arith.constant 1 : i32
    %dma_start3A_149 = arith.constant 0 : i32
    %dma_start3A_150 = tpu.memref_slice %arg8[%dma_start3A_148, %dma_start3A_149] : memref<8x1024xf32, #tpu.memory_space<vmem>> -> memref<1x1024xf32, #tpu.memory_space<vmem>>
    %dma_start3A_151 = tpu.memref_squeeze %dma_start3A_150 : memref<1x1024xf32, #tpu.memory_space<vmem>> -> memref<1024xf32, #tpu.memory_space<vmem>>
    %dma_start3A_152 = arith.constant 0 : i32
    %dma_start3A_153 = tpu.memref_slice %arg2[%shift_right_logical3A_128, %add3A_147, %dma_start3A_152] : memref<16x1024x1024xf32, #tpu.memory_space<hbm>> -> memref<1x1x1024xf32, #tpu.memory_space<hbm>>
    %dma_start3A_154 = tpu.memref_squeeze %dma_start3A_153 : memref<1x1x1024xf32, #tpu.memory_space<hbm>> -> memref<1024xf32, #tpu.memory_space<hbm>>
    %dma_start3A_155 = arith.constant 0 : i32
    %dma_start3A_156 = tpu.memref_slice %arg8[%dma_start3A_148, %dma_start3A_155] : memref<8x1024xf32, #tpu.memory_space<vmem>> -> memref<1x1024xf32, #tpu.memory_space<vmem>>
    %dma_start3A_157 = tpu.memref_squeeze %dma_start3A_156 : memref<1x1024xf32, #tpu.memory_space<vmem>> -> memref<1024xf32, #tpu.memory_space<vmem>>
    %dma_start3A_158 = arith.constant 0 : i32
    %dma_start3A_159 = tpu.memref_slice %arg2[%shift_right_logical3A_128, %add3A_147, %dma_start3A_158] : memref<16x1024x1024xf32, #tpu.memory_space<hbm>> -> memref<1x1x1024xf32, #tpu.memory_space<hbm>>
    %dma_start3A_160 = tpu.memref_squeeze %dma_start3A_159 : memref<1x1x1024xf32, #tpu.memory_space<hbm>> -> memref<1024xf32, #tpu.memory_space<hbm>>
    tpu.enqueue_dma source(%dma_start3A_160 : memref<1024xf32, #tpu.memory_space<hbm>>) target(%dma_start3A_157 : memref<1024xf32, #tpu.memory_space<vmem>>) target_semaphore(%arg12 : memref<!tpu.dma_semaphore, #tpu.memory_space<semaphore_mem>>)
    %add3A_161 = arith.constant 4 : i32
    %add3A_162 = arith.addi %add3A_130, %add3A_161 : i32
    %dma_start3A_163 = arith.constant 2 : i32
    %dma_start3A_164 = arith.constant 0 : i32
    %dma_start3A_165 = tpu.memref_slice %arg8[%dma_start3A_163, %dma_start3A_164] : memref<8x1024xf32, #tpu.memory_space<vmem>> -> memref<1x1024xf32, #tpu.memory_space<vmem>>
    %dma_start3A_166 = tpu.memref_squeeze %dma_start3A_165 : memref<1x1024xf32, #tpu.memory_space<vmem>> -> memref<1024xf32, #tpu.memory_space<vmem>>
    %dma_start3A_167 = arith.constant 0 : i32
    %dma_start3A_168 = tpu.memref_slice %arg2[%shift_right_logical3A_128, %add3A_162, %dma_start3A_167] : memref<16x1024x1024xf32, #tpu.memory_space<hbm>> -> memref<1x1x1024xf32, #tpu.memory_space<hbm>>
    %dma_start3A_169 = tpu.memref_squeeze %dma_start3A_168 : memref<1x1x1024xf32, #tpu.memory_space<hbm>> -> memref<1024xf32, #tpu.memory_space<hbm>>
    %dma_start3A_170 = arith.constant 0 : i32
    %dma_start3A_171 = tpu.memref_slice %arg8[%dma_start3A_163, %dma_start3A_170] : memref<8x1024xf32, #tpu.memory_space<vmem>> -> memref<1x1024xf32, #tpu.memory_space<vmem>>
    %dma_start3A_172 = tpu.memref_squeeze %dma_start3A_171 : memref<1x1024xf32, #tpu.memory_space<vmem>> -> memref<1024xf32, #tpu.memory_space<vmem>>
    %dma_start3A_173 = arith.constant 0 : i32
    %dma_start3A_174 = tpu.memref_slice %arg2[%shift_right_logical3A_128, %add3A_162, %dma_start3A_173] : memref<16x1024x1024xf32, #tpu.memory_space<hbm>> -> memref<1x1x1024xf32, #tpu.memory_space<hbm>>
    %dma_start3A_175 = tpu.memref_squeeze %dma_start3A_174 : memref<1x1x1024xf32, #tpu.memory_space<hbm>> -> memref<1024xf32, #tpu.memory_space<hbm>>
    tpu.enqueue_dma source(%dma_start3A_175 : memref<1024xf32, #tpu.memory_space<hbm>>) target(%dma_start3A_172 : memref<1024xf32, #tpu.memory_space<vmem>>) target_semaphore(%arg12 : memref<!tpu.dma_semaphore, #tpu.memory_space<semaphore_mem>>)
    %add3A_176 = arith.constant 6 : i32
    %add3A_177 = arith.addi %add3A_130, %add3A_176 : i32
    %dma_start3A_178 = arith.constant 3 : i32
    %dma_start3A_179 = arith.constant 0 : i32
    %dma_start3A_180 = tpu.memref_slice %arg8[%dma_start3A_178, %dma_start3A_179] : memref<8x1024xf32, #tpu.memory_space<vmem>> -> memref<1x1024xf32, #tpu.memory_space<vmem>>
    %dma_start3A_181 = tpu.memref_squeeze %dma_start3A_180 : memref<1x1024xf32, #tpu.memory_space<vmem>> -> memref<1024xf32, #tpu.memory_space<vmem>>
    %dma_start3A_182 = arith.constant 0 : i32
    %dma_start3A_183 = tpu.memref_slice %arg2[%shift_right_logical3A_128, %add3A_177, %dma_start3A_182] : memref<16x1024x1024xf32, #tpu.memory_space<hbm>> -> memref<1x1x1024xf32, #tpu.memory_space<hbm>>
    %dma_start3A_184 = tpu.memref_squeeze %dma_start3A_183 : memref<1x1x1024xf32, #tpu.memory_space<hbm>> -> memref<1024xf32, #tpu.memory_space<hbm>>
    %dma_start3A_185 = arith.constant 0 : i32
    %dma_start3A_186 = tpu.memref_slice %arg8[%dma_start3A_178, %dma_start3A_185] : memref<8x1024xf32, #tpu.memory_space<vmem>> -> memref<1x1024xf32, #tpu.memory_space<vmem>>
    %dma_start3A_187 = tpu.memref_squeeze %dma_start3A_186 : memref<1x1024xf32, #tpu.memory_space<vmem>> -> memref<1024xf32, #tpu.memory_space<vmem>>
    %dma_start3A_188 = arith.constant 0 : i32
    %dma_start3A_189 = tpu.memref_slice %arg2[%shift_right_logical3A_128, %add3A_177, %dma_start3A_188] : memref<16x1024x1024xf32, #tpu.memory_space<hbm>> -> memref<1x1x1024xf32, #tpu.memory_space<hbm>>
    %dma_start3A_190 = tpu.memref_squeeze %dma_start3A_189 : memref<1x1x1024xf32, #tpu.memory_space<hbm>> -> memref<1024xf32, #tpu.memory_space<hbm>>
    tpu.enqueue_dma source(%dma_start3A_190 : memref<1024xf32, #tpu.memory_space<hbm>>) target(%dma_start3A_187 : memref<1024xf32, #tpu.memory_space<vmem>>) target_semaphore(%arg12 : memref<!tpu.dma_semaphore, #tpu.memory_space<semaphore_mem>>)
    %add3A_191 = arith.constant 8 : i32
    %add3A_192 = arith.addi %add3A_130, %add3A_191 : i32
    %dma_start3A_193 = arith.constant 4 : i32
    %dma_start3A_194 = arith.constant 0 : i32
    %dma_start3A_195 = tpu.memref_slice %arg8[%dma_start3A_193, %dma_start3A_194] : memref<8x1024xf32, #tpu.memory_space<vmem>> -> memref<1x1024xf32, #tpu.memory_space<vmem>>
    %dma_start3A_196 = tpu.memref_squeeze %dma_start3A_195 : memref<1x1024xf32, #tpu.memory_space<vmem>> -> memref<1024xf32, #tpu.memory_space<vmem>>
    %dma_start3A_197 = arith.constant 0 : i32
    %dma_start3A_198 = tpu.memref_slice %arg2[%shift_right_logical3A_128, %add3A_192, %dma_start3A_197] : memref<16x1024x1024xf32, #tpu.memory_space<hbm>> -> memref<1x1x1024xf32, #tpu.memory_space<hbm>>
    %dma_start3A_199 = tpu.memref_squeeze %dma_start3A_198 : memref<1x1x1024xf32, #tpu.memory_space<hbm>> -> memref<1024xf32, #tpu.memory_space<hbm>>
    %dma_start3A_200 = arith.constant 0 : i32
    %dma_start3A_201 = tpu.memref_slice %arg8[%dma_start3A_193, %dma_start3A_200] : memref<8x1024xf32, #tpu.memory_space<vmem>> -> memref<1x1024xf32, #tpu.memory_space<vmem>>
    %dma_start3A_202 = tpu.memref_squeeze %dma_start3A_201 : memref<1x1024xf32, #tpu.memory_space<vmem>> -> memref<1024xf32, #tpu.memory_space<vmem>>
    %dma_start3A_203 = arith.constant 0 : i32
    %dma_start3A_204 = tpu.memref_slice %arg2[%shift_right_logical3A_128, %add3A_192, %dma_start3A_203] : memref<16x1024x1024xf32, #tpu.memory_space<hbm>> -> memref<1x1x1024xf32, #tpu.memory_space<hbm>>
    %dma_start3A_205 = tpu.memref_squeeze %dma_start3A_204 : memref<1x1x1024xf32, #tpu.memory_space<hbm>> -> memref<1024xf32, #tpu.memory_space<hbm>>
    tpu.enqueue_dma source(%dma_start3A_205 : memref<1024xf32, #tpu.memory_space<hbm>>) target(%dma_start3A_202 : memref<1024xf32, #tpu.memory_space<vmem>>) target_semaphore(%arg12 : memref<!tpu.dma_semaphore, #tpu.memory_space<semaphore_mem>>)
    %add3A_206 = arith.constant 10 : i32
    %add3A_207 = arith.addi %add3A_130, %add3A_206 : i32
    %dma_start3A_208 = arith.constant 5 : i32
    %dma_start3A_209 = arith.constant 0 : i32
    %dma_start3A_210 = tpu.memref_slice %arg8[%dma_start3A_208, %dma_start3A_209] : memref<8x1024xf32, #tpu.memory_space<vmem>> -> memref<1x1024xf32, #tpu.memory_space<vmem>>
    %dma_start3A_211 = tpu.memref_squeeze %dma_start3A_210 : memref<1x1024xf32, #tpu.memory_space<vmem>> -> memref<1024xf32, #tpu.memory_space<vmem>>
    %dma_start3A_212 = arith.constant 0 : i32
    %dma_start3A_213 = tpu.memref_slice %arg2[%shift_right_logical3A_128, %add3A_207, %dma_start3A_212] : memref<16x1024x1024xf32, #tpu.memory_space<hbm>> -> memref<1x1x1024xf32, #tpu.memory_space<hbm>>
    %dma_start3A_214 = tpu.memref_squeeze %dma_start3A_213 : memref<1x1x1024xf32, #tpu.memory_space<hbm>> -> memref<1024xf32, #tpu.memory_space<hbm>>
    %dma_start3A_215 = arith.constant 0 : i32
    %dma_start3A_216 = tpu.memref_slice %arg8[%dma_start3A_208, %dma_start3A_215] : memref<8x1024xf32, #tpu.memory_space<vmem>> -> memref<1x1024xf32, #tpu.memory_space<vmem>>
    %dma_start3A_217 = tpu.memref_squeeze %dma_start3A_216 : memref<1x1024xf32, #tpu.memory_space<vmem>> -> memref<1024xf32, #tpu.memory_space<vmem>>
    %dma_start3A_218 = arith.constant 0 : i32
    %dma_start3A_219 = tpu.memref_slice %arg2[%shift_right_logical3A_128, %add3A_207, %dma_start3A_218] : memref<16x1024x1024xf32, #tpu.memory_space<hbm>> -> memref<1x1x1024xf32, #tpu.memory_space<hbm>>
    %dma_start3A_220 = tpu.memref_squeeze %dma_start3A_219 : memref<1x1x1024xf32, #tpu.memory_space<hbm>> -> memref<1024xf32, #tpu.memory_space<hbm>>
    tpu.enqueue_dma source(%dma_start3A_220 : memref<1024xf32, #tpu.memory_space<hbm>>) target(%dma_start3A_217 : memref<1024xf32, #tpu.memory_space<vmem>>) target_semaphore(%arg12 : memref<!tpu.dma_semaphore, #tpu.memory_space<semaphore_mem>>)
    %add3A_221 = arith.constant 12 : i32
    %add3A_222 = arith.addi %add3A_130, %add3A_221 : i32
    %dma_start3A_223 = arith.constant 6 : i32
    %dma_start3A_224 = arith.constant 0 : i32
    %dma_start3A_225 = tpu.memref_slice %arg8[%dma_start3A_223, %dma_start3A_224] : memref<8x1024xf32, #tpu.memory_space<vmem>> -> memref<1x1024xf32, #tpu.memory_space<vmem>>
    %dma_start3A_226 = tpu.memref_squeeze %dma_start3A_225 : memref<1x1024xf32, #tpu.memory_space<vmem>> -> memref<1024xf32, #tpu.memory_space<vmem>>
    %dma_start3A_227 = arith.constant 0 : i32
    %dma_start3A_228 = tpu.memref_slice %arg2[%shift_right_logical3A_128, %add3A_222, %dma_start3A_227] : memref<16x1024x1024xf32, #tpu.memory_space<hbm>> -> memref<1x1x1024xf32, #tpu.memory_space<hbm>>
    %dma_start3A_229 = tpu.memref_squeeze %dma_start3A_228 : memref<1x1x1024xf32, #tpu.memory_space<hbm>> -> memref<1024xf32, #tpu.memory_space<hbm>>
    %dma_start3A_230 = arith.constant 0 : i32
    %dma_start3A_231 = tpu.memref_slice %arg8[%dma_start3A_223, %dma_start3A_230] : memref<8x1024xf32, #tpu.memory_space<vmem>> -> memref<1x1024xf32, #tpu.memory_space<vmem>>
    %dma_start3A_232 = tpu.memref_squeeze %dma_start3A_231 : memref<1x1024xf32, #tpu.memory_space<vmem>> -> memref<1024xf32, #tpu.memory_space<vmem>>
    %dma_start3A_233 = arith.constant 0 : i32
    %dma_start3A_234 = tpu.memref_slice %arg2[%shift_right_logical3A_128, %add3A_222, %dma_start3A_233] : memref<16x1024x1024xf32, #tpu.memory_space<hbm>> -> memref<1x1x1024xf32, #tpu.memory_space<hbm>>
    %dma_start3A_235 = tpu.memref_squeeze %dma_start3A_234 : memref<1x1x1024xf32, #tpu.memory_space<hbm>> -> memref<1024xf32, #tpu.memory_space<hbm>>
    tpu.enqueue_dma source(%dma_start3A_235 : memref<1024xf32, #tpu.memory_space<hbm>>) target(%dma_start3A_232 : memref<1024xf32, #tpu.memory_space<vmem>>) target_semaphore(%arg12 : memref<!tpu.dma_semaphore, #tpu.memory_space<semaphore_mem>>)
    %add3A_236 = arith.constant 14 : i32
    %add3A_237 = arith.addi %add3A_130, %add3A_236 : i32
    %dma_start3A_238 = arith.constant 7 : i32
    %dma_start3A_239 = arith.constant 0 : i32
    %dma_start3A_240 = tpu.memref_slice %arg8[%dma_start3A_238, %dma_start3A_239] : memref<8x1024xf32, #tpu.memory_space<vmem>> -> memref<1x1024xf32, #tpu.memory_space<vmem>>
    %dma_start3A_241 = tpu.memref_squeeze %dma_start3A_240 : memref<1x1024xf32, #tpu.memory_space<vmem>> -> memref<1024xf32, #tpu.memory_space<vmem>>
    %dma_start3A_242 = arith.constant 0 : i32
    %dma_start3A_243 = tpu.memref_slice %arg2[%shift_right_logical3A_128, %add3A_237, %dma_start3A_242] : memref<16x1024x1024xf32, #tpu.memory_space<hbm>> -> memref<1x1x1024xf32, #tpu.memory_space<hbm>>
    %dma_start3A_244 = tpu.memref_squeeze %dma_start3A_243 : memref<1x1x1024xf32, #tpu.memory_space<hbm>> -> memref<1024xf32, #tpu.memory_space<hbm>>
    %dma_start3A_245 = arith.constant 0 : i32
    %dma_start3A_246 = tpu.memref_slice %arg8[%dma_start3A_238, %dma_start3A_245] : memref<8x1024xf32, #tpu.memory_space<vmem>> -> memref<1x1024xf32, #tpu.memory_space<vmem>>
    %dma_start3A_247 = tpu.memref_squeeze %dma_start3A_246 : memref<1x1024xf32, #tpu.memory_space<vmem>> -> memref<1024xf32, #tpu.memory_space<vmem>>
    %dma_start3A_248 = arith.constant 0 : i32
    %dma_start3A_249 = tpu.memref_slice %arg2[%shift_right_logical3A_128, %add3A_237, %dma_start3A_248] : memref<16x1024x1024xf32, #tpu.memory_space<hbm>> -> memref<1x1x1024xf32, #tpu.memory_space<hbm>>
    %dma_start3A_250 = tpu.memref_squeeze %dma_start3A_249 : memref<1x1x1024xf32, #tpu.memory_space<hbm>> -> memref<1024xf32, #tpu.memory_space<hbm>>
    tpu.enqueue_dma source(%dma_start3A_250 : memref<1024xf32, #tpu.memory_space<hbm>>) target(%dma_start3A_247 : memref<1024xf32, #tpu.memory_space<vmem>>) target_semaphore(%arg12 : memref<!tpu.dma_semaphore, #tpu.memory_space<semaphore_mem>>)
    %mul3A_251 = arith.constant 8192 : i32
    %mul3A_252 = arith.muli %add3A, %mul3A_251 : i32
    "tpu.region"() ({
      %run_scoped3A = tpu.sem_alloc : memref<!tpu.dma_semaphore, #tpu.memory_space<semaphore_mem>>
      %dma_start3A_286 = tpu.memref_slice %arg3[%mul3A_252] : memref<262144xf32, #tpu.memory_space<hbm>> -> memref<8192xf32, #tpu.memory_space<hbm>>
      %dma_start3A_287 = tpu.memref_slice %arg3[%mul3A_252] : memref<262144xf32, #tpu.memory_space<hbm>> -> memref<8192xf32, #tpu.memory_space<hbm>>
      tpu.enqueue_dma source(%dma_start3A_287 : memref<8192xf32, #tpu.memory_space<hbm>>) target(%arg6 : memref<8192xf32, #tpu.memory_space<vmem>>) target_semaphore(%run_scoped3A : memref<!tpu.dma_semaphore, #tpu.memory_space<semaphore_mem>>)
      %dma_wait3A_288 = tpu.memref_slice %arg3[%mul3A_252] : memref<262144xf32, #tpu.memory_space<hbm>> -> memref<8192xf32, #tpu.memory_space<hbm>>
      %dma_wait3A_289 = tpu.memref_slice %arg3[%mul3A_252] : memref<262144xf32, #tpu.memory_space<hbm>> -> memref<8192xf32, #tpu.memory_space<hbm>>
      tpu.wait_dma2 semaphore(%run_scoped3A : memref<!tpu.dma_semaphore, #tpu.memory_space<semaphore_mem>>) src(%dma_wait3A_289 : memref<8192xf32, #tpu.memory_space<hbm>>) dst(%arg6 : memref<8192xf32, #tpu.memory_space<vmem>>)
      tpu.yield
    }) : () -> ()
    %parallel_loop3A = arith.constant 0 : i32
    %parallel_loop3A_253 = arith.constant 1024 : i32
    %parallel_loop3A_254 = arith.constant 1 : i32
    scf.for %parallel_loop3A_286 = %parallel_loop3A to %parallel_loop3A_253 step %parallel_loop3A_254  : i32 {
      %parallel_loop3A_287 = arith.constant 0.000000e+00 : f32
      %parallel_loop3A_288 = vector.broadcast %parallel_loop3A_287 : f32 to vector<16xf32>
      %parallel_loop3A_289 = arith.constant 16 : i32
      %parallel_loop3A_290 = arith.muli %parallel_loop3A_286, %parallel_loop3A_289 : i32
      %parallel_loop3A_291 = arith.index_cast %parallel_loop3A_290 : i32 to index
      %parallel_loop3A_292 = tpu.vector_load %arg5[%parallel_loop3A_291] {strides = array<i32>} : memref<16384xf32, #tpu.memory_space<vmem>>, vector<16xf32>,
      tpu.vector_store %arg5[%parallel_loop3A_291], %parallel_loop3A_288 {strides = array<i32>} : memref<16384xf32, #tpu.memory_space<vmem>>, vector<16xf32>,
    } {sc.loop_unroll_factor = 8 : i64, sc.parallel_access}
    %iota3A = tpu.iota {dimensions = array<i32: 0>} : vector<16xi32>
    %mul3A_255 = arith.constant 2 : i32
    %mul3A_256 = vector.broadcast %mul3A_255 : i32 to vector<16xi32>
    %mul3A_257 = arith.muli %mul3A_256, %iota3A : vector<16xi32>
    %parallel_loop3A_258 = arith.constant 0 : i32
    %parallel_loop3A_259 = arith.constant 512 : i32
    %parallel_loop3A_260 = arith.constant 1 : i32
    scf.for %parallel_loop3A_286 = %parallel_loop3A_258 to %parallel_loop3A_259 step %parallel_loop3A_260  : i32 {
      %parallel_loop3A_287 = arith.constant 5 : i32
      %parallel_loop3A_288 = arith.shrui %parallel_loop3A_286, %parallel_loop3A_287 : i32
      %parallel_loop3A_289 = arith.constant 1024 : i32
      %parallel_loop3A_290 = arith.muli %parallel_loop3A_288, %parallel_loop3A_289 : i32
      %parallel_loop3A_291 = arith.constant 31 : i32
      %parallel_loop3A_292 = arith.andi %parallel_loop3A_286, %parallel_loop3A_291 : i32
      %parallel_loop3A_293 = arith.constant 32 : i32
      %parallel_loop3A_294 = arith.muli %parallel_loop3A_292, %parallel_loop3A_293 : i32
      %parallel_loop3A_295 = arith.addi %parallel_loop3A_290, %parallel_loop3A_294 : i32
      %parallel_loop3A_296 = arith.constant 16 : i32
      %parallel_loop3A_297 = arith.muli %parallel_loop3A_286, %parallel_loop3A_296 : i32
      %parallel_loop3A_298 = arith.index_cast %parallel_loop3A_297 : i32 to index
      %parallel_loop3A_299 = tpu.vector_load %arg6[%parallel_loop3A_298] {strides = array<i32>} : memref<8192xf32, #tpu.memory_space<vmem>>, vector<16xf32>,
      %parallel_loop3A_300 = vector.broadcast %parallel_loop3A_295 : i32 to vector<16xi32>
      %parallel_loop3A_301 = arith.addi %parallel_loop3A_300, %mul3A_257 : vector<16xi32>
      tpu.vector_store_idx %arg5[%parallel_loop3A_301], %parallel_loop3A_299 : memref<16384xf32, #tpu.memory_space<vmem>>[vector<16xi32>], vector<16xf32>,
    } {sc.loop_unroll_factor = 8 : i64, sc.parallel_access}
    %parallel_loop3A_261 = arith.constant 0 : i32
    %parallel_loop3A_262 = arith.constant 512 : i32
    %parallel_loop3A_263 = arith.constant 1 : i32
    scf.for %parallel_loop3A_286 = %parallel_loop3A_261 to %parallel_loop3A_262 step %parallel_loop3A_263  : i32 {
      %parallel_loop3A_287 = arith.constant 6 : i32
      %parallel_loop3A_288 = arith.shrui %parallel_loop3A_286, %parallel_loop3A_287 : i32
      %parallel_loop3A_289 = arith.constant 2 : i32
      %parallel_loop3A_290 = arith.muli %parallel_loop3A_289, %parallel_loop3A_288 : i32
      %parallel_loop3A_291 = arith.constant 1 : i32
      %parallel_loop3A_292 = arith.addi %parallel_loop3A_290, %parallel_loop3A_291 : i32
      %parallel_loop3A_293 = arith.constant 63 : i32
      %parallel_loop3A_294 = arith.andi %parallel_loop3A_286, %parallel_loop3A_293 : i32
      %parallel_loop3A_295 = arith.constant 16 : i32
      %parallel_loop3A_296 = arith.muli %parallel_loop3A_294, %parallel_loop3A_295 : i32
      %parallel_loop3A_297 = arith.constant 0.000000e+00 : f32
      %parallel_loop3A_298 = vector.broadcast %parallel_loop3A_297 : f32 to vector<16xf32>
      %parallel_loop3A_299 = arith.index_cast %parallel_loop3A_292 : i32 to index
      %parallel_loop3A_300 = arith.index_cast %parallel_loop3A_296 : i32 to index
      %parallel_loop3A_301 = tpu.vector_load %arg9[%parallel_loop3A_299, %parallel_loop3A_300] {strides = array<i32>} : memref<16x1024xf32, #tpu.memory_space<vmem>>, vector<16xf32>,
      tpu.vector_store %arg9[%parallel_loop3A_299, %parallel_loop3A_300], %parallel_loop3A_298 {strides = array<i32>} : memref<16x1024xf32, #tpu.memory_space<vmem>>, vector<16xf32>,
      %parallel_loop3A_302 = arith.index_cast %parallel_loop3A_292 : i32 to index
      %parallel_loop3A_303 = arith.index_cast %parallel_loop3A_296 : i32 to index
      %parallel_loop3A_304 = tpu.vector_load %arg10[%parallel_loop3A_302, %parallel_loop3A_303] {strides = array<i32>} : memref<16x1024xf32, #tpu.memory_space<vmem>>, vector<16xf32>,
      tpu.vector_store %arg10[%parallel_loop3A_302, %parallel_loop3A_303], %parallel_loop3A_298 {strides = array<i32>} : memref<16x1024xf32, #tpu.memory_space<vmem>>, vector<16xf32>,
    } {sc.loop_unroll_factor = 8 : i64, sc.parallel_access}
    %scan3A = arith.constant 0 : i32
    %scan3A_264 = arith.constant 0 : i32
    %scan3A_265 = arith.constant 16 : i32
    %scan3A_266 = arith.addi %scan3A_264, %scan3A_265 : i32
    %scan3A_267 = arith.constant 1 : i32
    scf.for %scan3A_286 = %scan3A_264 to %scan3A_266 step %scan3A_267  : i32 {
      %mul3A_287 = arith.constant 2 : i32
      %mul3A_288 = arith.muli %mul3A_287, %scan3A_286 : i32
      %shift_right_logical3A_289 = arith.constant 1 : i32
      %shift_right_logical3A_290 = arith.shrui %mul3A_288, %shift_right_logical3A_289 : i32
      %and3A = arith.constant 1 : i32
      %and3A_291 = arith.andi %mul3A_288, %and3A : i32
      %mul3A_292 = arith.constant 16 : i32
      %mul3A_293 = arith.muli %and3A_291, %mul3A_292 : i32
      %add3A_294 = arith.addi %mul3A_2, %mul3A_293 : i32
      %ge3A = arith.constant 2 : i32
      %ge3A_295 = arith.cmpi sge, %mul3A_288, %ge3A : i32
      %convert_element_type3A = arith.extui %ge3A_295 : i1 to i32
      %cond3A = arith.constant 0 : i32
      %cond3A_296 = arith.cmpi ne, %convert_element_type3A, %cond3A : i32
      scf.if %cond3A_296 {
        %dma_wait3A_366 = arith.constant 0 : i32
        %dma_wait3A_367 = arith.constant 0 : i32
        %dma_wait3A_368 = arith.constant 0 : i32
        %dma_wait3A_369 = tpu.memref_slice %arg4[%dma_wait3A_366, %dma_wait3A_367, %dma_wait3A_368] : memref<16x1024x1024xf32, #tpu.memory_space<hbm>> -> memref<1x16x1024xf32, #tpu.memory_space<hbm>>
        %dma_wait3A_370 = tpu.memref_squeeze %dma_wait3A_369 : memref<1x16x1024xf32, #tpu.memory_space<hbm>> -> memref<16x1024xf32, #tpu.memory_space<hbm>>
        %dma_wait3A_371 = arith.constant 0 : i32
        %dma_wait3A_372 = arith.constant 0 : i32
        %dma_wait3A_373 = tpu.memref_slice %arg4[%dma_wait3A_366, %dma_wait3A_371, %dma_wait3A_372] : memref<16x1024x1024xf32, #tpu.memory_space<hbm>> -> memref<1x16x1024xf32, #tpu.memory_space<hbm>>
        %dma_wait3A_374 = tpu.memref_squeeze %dma_wait3A_373 : memref<1x16x1024xf32, #tpu.memory_space<hbm>> -> memref<16x1024xf32, #tpu.memory_space<hbm>>
        tpu.wait_dma2 semaphore(%arg13 : memref<!tpu.dma_semaphore, #tpu.memory_space<semaphore_mem>>) src(%arg9 : memref<16x1024xf32, #tpu.memory_space<vmem>>) dst(%dma_wait3A_374 : memref<16x1024xf32, #tpu.memory_space<hbm>>)
      } else {
      }
      %dma_wait3A_297 = arith.constant 0 : i32
      %dma_wait3A_298 = arith.constant 0 : i32
      %dma_wait3A_299 = arith.constant 0 : i32
      %dma_wait3A_300 = tpu.memref_slice %arg2[%dma_wait3A_297, %dma_wait3A_298, %dma_wait3A_299] : memref<16x1024x1024xf32, #tpu.memory_space<hbm>> -> memref<1x8x1024xf32, #tpu.memory_space<hbm>>
      %dma_wait3A_301 = tpu.memref_squeeze %dma_wait3A_300 : memref<1x8x1024xf32, #tpu.memory_space<hbm>> -> memref<8x1024xf32, #tpu.memory_space<hbm>>
      %dma_wait3A_302 = arith.constant 0 : i32
      %dma_wait3A_303 = arith.constant 0 : i32
      %dma_wait3A_304 = tpu.memref_slice %arg2[%dma_wait3A_297, %dma_wait3A_302, %dma_wait3A_303] : memref<16x1024x1024xf32, #tpu.memory_space<hbm>> -> memref<1x8x1024xf32, #tpu.memory_space<hbm>>
      %dma_wait3A_305 = tpu.memref_squeeze %dma_wait3A_304 : memref<1x8x1024xf32, #tpu.memory_space<hbm>> -> memref<8x1024xf32, #tpu.memory_space<hbm>>
      tpu.wait_dma2 semaphore(%arg11 : memref<!tpu.dma_semaphore, #tpu.memory_space<semaphore_mem>>) src(%dma_wait3A_305 : memref<8x1024xf32, #tpu.memory_space<hbm>>) dst(%arg7 : memref<8x1024xf32, #tpu.memory_space<vmem>>)
      %mul3A_306 = arith.constant 8 : i32
      %mul3A_307 = arith.muli %and3A_291, %mul3A_306 : i32
      %parallel_loop3A_308 = arith.constant 0 : i32
      %parallel_loop3A_309 = arith.constant 512 : i32
      %parallel_loop3A_310 = arith.constant 1 : i32
      scf.for %parallel_loop3A_366 = %parallel_loop3A_308 to %parallel_loop3A_309 step %parallel_loop3A_310  : i32 {
        %parallel_loop3A_367 = arith.constant 6 : i32
        %parallel_loop3A_368 = arith.shrui %parallel_loop3A_366, %parallel_loop3A_367 : i32
        %parallel_loop3A_369 = arith.constant 63 : i32
        %parallel_loop3A_370 = arith.andi %parallel_loop3A_366, %parallel_loop3A_369 : i32
        %parallel_loop3A_371 = arith.constant 16 : i32
        %parallel_loop3A_372 = arith.muli %parallel_loop3A_370, %parallel_loop3A_371 : i32
        %parallel_loop3A_373 = arith.index_cast %parallel_loop3A_368 : i32 to index
        %parallel_loop3A_374 = arith.index_cast %parallel_loop3A_372 : i32 to index
        %parallel_loop3A_375 = tpu.vector_load %arg7[%parallel_loop3A_373, %parallel_loop3A_374] {strides = array<i32>} : memref<8x1024xf32, #tpu.memory_space<vmem>>, vector<16xf32>,
        %parallel_loop3A_376 = arith.addi %mul3A_307, %parallel_loop3A_368 : i32
        %parallel_loop3A_377 = arith.constant 1024 : i32
        %parallel_loop3A_378 = arith.muli %parallel_loop3A_376, %parallel_loop3A_377 : i32
        %parallel_loop3A_379 = arith.addi %parallel_loop3A_378, %parallel_loop3A_372 : i32
        %parallel_loop3A_380 = arith.index_cast %parallel_loop3A_379 : i32 to index
        %parallel_loop3A_381 = tpu.vector_load %arg5[%parallel_loop3A_380] {strides = array<i32>} : memref<16384xf32, #tpu.memory_space<vmem>>, vector<16xf32>,
        %parallel_loop3A_382 = arith.mulf %parallel_loop3A_375, %parallel_loop3A_381 : vector<16xf32>
        %parallel_loop3A_383 = arith.constant 2 : i32
        %parallel_loop3A_384 = arith.muli %parallel_loop3A_383, %parallel_loop3A_368 : i32
        %parallel_loop3A_385 = arith.index_cast %parallel_loop3A_384 : i32 to index
        %parallel_loop3A_386 = arith.index_cast %parallel_loop3A_372 : i32 to index
        %parallel_loop3A_387 = tpu.vector_load %arg9[%parallel_loop3A_385, %parallel_loop3A_386] {strides = array<i32>} : memref<16x1024xf32, #tpu.memory_space<vmem>>, vector<16xf32>,
        tpu.vector_store %arg9[%parallel_loop3A_385, %parallel_loop3A_386], %parallel_loop3A_382 {strides = array<i32>} : memref<16x1024xf32, #tpu.memory_space<vmem>>, vector<16xf32>,
      } {sc.loop_unroll_factor = 8 : i64, sc.parallel_access}
      %dma_start3A_311 = arith.constant 0 : i32
      %dma_start3A_312 = tpu.memref_slice %arg4[%shift_right_logical3A_290, %add3A_294, %dma_start3A_311] : memref<16x1024x1024xf32, #tpu.memory_space<hbm>> -> memref<1x16x1024xf32, #tpu.memory_space<hbm>>
      %dma_start3A_313 = tpu.memref_squeeze %dma_start3A_312 : memref<1x16x1024xf32, #tpu.memory_space<hbm>> -> memref<16x1024xf32, #tpu.memory_space<hbm>>
      %dma_start3A_314 = arith.constant 0 : i32
      %dma_start3A_315 = tpu.memref_slice %arg4[%shift_right_logical3A_290, %add3A_294, %dma_start3A_314] : memref<16x1024x1024xf32, #tpu.memory_space<hbm>> -> memref<1x16x1024xf32, #tpu.memory_space<hbm>>
      %dma_start3A_316 = tpu.memref_squeeze %dma_start3A_315 : memref<1x16x1024xf32, #tpu.memory_space<hbm>> -> memref<16x1024xf32, #tpu.memory_space<hbm>>
      tpu.enqueue_dma source(%arg9 : memref<16x1024xf32, #tpu.memory_space<vmem>>) target(%dma_start3A_316 : memref<16x1024xf32, #tpu.memory_space<hbm>>) target_semaphore(%arg13 : memref<!tpu.dma_semaphore, #tpu.memory_space<semaphore_mem>>)
      %add3A_317 = arith.constant 2 : i32
      %add3A_318 = arith.addi %mul3A_288, %add3A_317 : i32
      %lt3A = arith.constant 32 : i32
      %lt3A_319 = arith.cmpi slt, %add3A_318, %lt3A : i32
      %convert_element_type3A_320 = arith.extui %lt3A_319 : i1 to i32
      %cond3A_321 = arith.constant 0 : i32
      %cond3A_322 = arith.cmpi ne, %convert_element_type3A_320, %cond3A_321 : i32
      scf.if %cond3A_322 {
        %add3A_366 = arith.constant 2 : i32
        %add3A_367 = arith.addi %mul3A_288, %add3A_366 : i32
        %shift_right_logical3A_368 = arith.constant 1 : i32
        %shift_right_logical3A_369 = arith.shrui %add3A_367, %shift_right_logical3A_368 : i32
        %and3A_370 = arith.constant 1 : i32
        %and3A_371 = arith.andi %add3A_367, %and3A_370 : i32
        %mul3A_372 = arith.constant 16 : i32
        %mul3A_373 = arith.muli %and3A_371, %mul3A_372 : i32
        %add3A_374 = arith.addi %mul3A_2, %mul3A_373 : i32
        %add3A_375 = arith.constant 0 : i32
        %add3A_376 = arith.addi %add3A_374, %add3A_375 : i32
        %dma_start3A_377 = arith.constant 0 : i32
        %dma_start3A_378 = arith.constant 0 : i32
        %dma_start3A_379 = tpu.memref_slice %arg7[%dma_start3A_377, %dma_start3A_378] : memref<8x1024xf32, #tpu.memory_space<vmem>> -> memref<1x1024xf32, #tpu.memory_space<vmem>>
        %dma_start3A_380 = tpu.memref_squeeze %dma_start3A_379 : memref<1x1024xf32, #tpu.memory_space<vmem>> -> memref<1024xf32, #tpu.memory_space<vmem>>
        %dma_start3A_381 = arith.constant 0 : i32
        %dma_start3A_382 = tpu.memref_slice %arg2[%shift_right_logical3A_369, %add3A_376, %dma_start3A_381] : memref<16x1024x1024xf32, #tpu.memory_space<hbm>> -> memref<1x1x1024xf32, #tpu.memory_space<hbm>>
        %dma_start3A_383 = tpu.memref_squeeze %dma_start3A_382 : memref<1x1x1024xf32, #tpu.memory_space<hbm>> -> memref<1024xf32, #tpu.memory_space<hbm>>
        %dma_start3A_384 = arith.constant 0 : i32
        %dma_start3A_385 = tpu.memref_slice %arg7[%dma_start3A_377, %dma_start3A_384] : memref<8x1024xf32, #tpu.memory_space<vmem>> -> memref<1x1024xf32, #tpu.memory_space<vmem>>
        %dma_start3A_386 = tpu.memref_squeeze %dma_start3A_385 : memref<1x1024xf32, #tpu.memory_space<vmem>> -> memref<1024xf32, #tpu.memory_space<vmem>>
        %dma_start3A_387 = arith.constant 0 : i32
        %dma_start3A_388 = tpu.memref_slice %arg2[%shift_right_logical3A_369, %add3A_376, %dma_start3A_387] : memref<16x1024x1024xf32, #tpu.memory_space<hbm>> -> memref<1x1x1024xf32, #tpu.memory_space<hbm>>
        %dma_start3A_389 = tpu.memref_squeeze %dma_start3A_388 : memref<1x1x1024xf32, #tpu.memory_space<hbm>> -> memref<1024xf32, #tpu.memory_space<hbm>>
        tpu.enqueue_dma source(%dma_start3A_389 : memref<1024xf32, #tpu.memory_space<hbm>>) target(%dma_start3A_386 : memref<1024xf32, #tpu.memory_space<vmem>>) target_semaphore(%arg11 : memref<!tpu.dma_semaphore, #tpu.memory_space<semaphore_mem>>)
        %add3A_390 = arith.constant 2 : i32
        %add3A_391 = arith.addi %add3A_374, %add3A_390 : i32
        %dma_start3A_392 = arith.constant 1 : i32
        %dma_start3A_393 = arith.constant 0 : i32
        %dma_start3A_394 = tpu.memref_slice %arg7[%dma_start3A_392, %dma_start3A_393] : memref<8x1024xf32, #tpu.memory_space<vmem>> -> memref<1x1024xf32, #tpu.memory_space<vmem>>
        %dma_start3A_395 = tpu.memref_squeeze %dma_start3A_394 : memref<1x1024xf32, #tpu.memory_space<vmem>> -> memref<1024xf32, #tpu.memory_space<vmem>>
        %dma_start3A_396 = arith.constant 0 : i32
        %dma_start3A_397 = tpu.memref_slice %arg2[%shift_right_logical3A_369, %add3A_391, %dma_start3A_396] : memref<16x1024x1024xf32, #tpu.memory_space<hbm>> -> memref<1x1x1024xf32, #tpu.memory_space<hbm>>
        %dma_start3A_398 = tpu.memref_squeeze %dma_start3A_397 : memref<1x1x1024xf32, #tpu.memory_space<hbm>> -> memref<1024xf32, #tpu.memory_space<hbm>>
        %dma_start3A_399 = arith.constant 0 : i32
        %dma_start3A_400 = tpu.memref_slice %arg7[%dma_start3A_392, %dma_start3A_399] : memref<8x1024xf32, #tpu.memory_space<vmem>> -> memref<1x1024xf32, #tpu.memory_space<vmem>>
        %dma_start3A_401 = tpu.memref_squeeze %dma_start3A_400 : memref<1x1024xf32, #tpu.memory_space<vmem>> -> memref<1024xf32, #tpu.memory_space<vmem>>
        %dma_start3A_402 = arith.constant 0 : i32
        %dma_start3A_403 = tpu.memref_slice %arg2[%shift_right_logical3A_369, %add3A_391, %dma_start3A_402] : memref<16x1024x1024xf32, #tpu.memory_space<hbm>> -> memref<1x1x1024xf32, #tpu.memory_space<hbm>>
        %dma_start3A_404 = tpu.memref_squeeze %dma_start3A_403 : memref<1x1x1024xf32, #tpu.memory_space<hbm>> -> memref<1024xf32, #tpu.memory_space<hbm>>
        tpu.enqueue_dma source(%dma_start3A_404 : memref<1024xf32, #tpu.memory_space<hbm>>) target(%dma_start3A_401 : memref<1024xf32, #tpu.memory_space<vmem>>) target_semaphore(%arg11 : memref<!tpu.dma_semaphore, #tpu.memory_space<semaphore_mem>>)
        %add3A_405 = arith.constant 4 : i32
        %add3A_406 = arith.addi %add3A_374, %add3A_405 : i32
        %dma_start3A_407 = arith.constant 2 : i32
        %dma_start3A_408 = arith.constant 0 : i32
        %dma_start3A_409 = tpu.memref_slice %arg7[%dma_start3A_407, %dma_start3A_408] : memref<8x1024xf32, #tpu.memory_space<vmem>> -> memref<1x1024xf32, #tpu.memory_space<vmem>>
        %dma_start3A_410 = tpu.memref_squeeze %dma_start3A_409 : memref<1x1024xf32, #tpu.memory_space<vmem>> -> memref<1024xf32, #tpu.memory_space<vmem>>
        %dma_start3A_411 = arith.constant 0 : i32
        %dma_start3A_412 = tpu.memref_slice %arg2[%shift_right_logical3A_369, %add3A_406, %dma_start3A_411] : memref<16x1024x1024xf32, #tpu.memory_space<hbm>> -> memref<1x1x1024xf32, #tpu.memory_space<hbm>>
        %dma_start3A_413 = tpu.memref_squeeze %dma_start3A_412 : memref<1x1x1024xf32, #tpu.memory_space<hbm>> -> memref<1024xf32, #tpu.memory_space<hbm>>
        %dma_start3A_414 = arith.constant 0 : i32
        %dma_start3A_415 = tpu.memref_slice %arg7[%dma_start3A_407, %dma_start3A_414] : memref<8x1024xf32, #tpu.memory_space<vmem>> -> memref<1x1024xf32, #tpu.memory_space<vmem>>
        %dma_start3A_416 = tpu.memref_squeeze %dma_start3A_415 : memref<1x1024xf32, #tpu.memory_space<vmem>> -> memref<1024xf32, #tpu.memory_space<vmem>>
        %dma_start3A_417 = arith.constant 0 : i32
        %dma_start3A_418 = tpu.memref_slice %arg2[%shift_right_logical3A_369, %add3A_406, %dma_start3A_417] : memref<16x1024x1024xf32, #tpu.memory_space<hbm>> -> memref<1x1x1024xf32, #tpu.memory_space<hbm>>
        %dma_start3A_419 = tpu.memref_squeeze %dma_start3A_418 : memref<1x1x1024xf32, #tpu.memory_space<hbm>> -> memref<1024xf32, #tpu.memory_space<hbm>>
        tpu.enqueue_dma source(%dma_start3A_419 : memref<1024xf32, #tpu.memory_space<hbm>>) target(%dma_start3A_416 : memref<1024xf32, #tpu.memory_space<vmem>>) target_semaphore(%arg11 : memref<!tpu.dma_semaphore, #tpu.memory_space<semaphore_mem>>)
        %add3A_420 = arith.constant 6 : i32
        %add3A_421 = arith.addi %add3A_374, %add3A_420 : i32
        %dma_start3A_422 = arith.constant 3 : i32
        %dma_start3A_423 = arith.constant 0 : i32
        %dma_start3A_424 = tpu.memref_slice %arg7[%dma_start3A_422, %dma_start3A_423] : memref<8x1024xf32, #tpu.memory_space<vmem>> -> memref<1x1024xf32, #tpu.memory_space<vmem>>
        %dma_start3A_425 = tpu.memref_squeeze %dma_start3A_424 : memref<1x1024xf32, #tpu.memory_space<vmem>> -> memref<1024xf32, #tpu.memory_space<vmem>>
        %dma_start3A_426 = arith.constant 0 : i32
        %dma_start3A_427 = tpu.memref_slice %arg2[%shift_right_logical3A_369, %add3A_421, %dma_start3A_426] : memref<16x1024x1024xf32, #tpu.memory_space<hbm>> -> memref<1x1x1024xf32, #tpu.memory_space<hbm>>
        %dma_start3A_428 = tpu.memref_squeeze %dma_start3A_427 : memref<1x1x1024xf32, #tpu.memory_space<hbm>> -> memref<1024xf32, #tpu.memory_space<hbm>>
        %dma_start3A_429 = arith.constant 0 : i32
        %dma_start3A_430 = tpu.memref_slice %arg7[%dma_start3A_422, %dma_start3A_429] : memref<8x1024xf32, #tpu.memory_space<vmem>> -> memref<1x1024xf32, #tpu.memory_space<vmem>>
        %dma_start3A_431 = tpu.memref_squeeze %dma_start3A_430 : memref<1x1024xf32, #tpu.memory_space<vmem>> -> memref<1024xf32, #tpu.memory_space<vmem>>
        %dma_start3A_432 = arith.constant 0 : i32
        %dma_start3A_433 = tpu.memref_slice %arg2[%shift_right_logical3A_369, %add3A_421, %dma_start3A_432] : memref<16x1024x1024xf32, #tpu.memory_space<hbm>> -> memref<1x1x1024xf32, #tpu.memory_space<hbm>>
        %dma_start3A_434 = tpu.memref_squeeze %dma_start3A_433 : memref<1x1x1024xf32, #tpu.memory_space<hbm>> -> memref<1024xf32, #tpu.memory_space<hbm>>
        tpu.enqueue_dma source(%dma_start3A_434 : memref<1024xf32, #tpu.memory_space<hbm>>) target(%dma_start3A_431 : memref<1024xf32, #tpu.memory_space<vmem>>) target_semaphore(%arg11 : memref<!tpu.dma_semaphore, #tpu.memory_space<semaphore_mem>>)
        %add3A_435 = arith.constant 8 : i32
        %add3A_436 = arith.addi %add3A_374, %add3A_435 : i32
        %dma_start3A_437 = arith.constant 4 : i32
        %dma_start3A_438 = arith.constant 0 : i32
        %dma_start3A_439 = tpu.memref_slice %arg7[%dma_start3A_437, %dma_start3A_438] : memref<8x1024xf32, #tpu.memory_space<vmem>> -> memref<1x1024xf32, #tpu.memory_space<vmem>>
        %dma_start3A_440 = tpu.memref_squeeze %dma_start3A_439 : memref<1x1024xf32, #tpu.memory_space<vmem>> -> memref<1024xf32, #tpu.memory_space<vmem>>
        %dma_start3A_441 = arith.constant 0 : i32
        %dma_start3A_442 = tpu.memref_slice %arg2[%shift_right_logical3A_369, %add3A_436, %dma_start3A_441] : memref<16x1024x1024xf32, #tpu.memory_space<hbm>> -> memref<1x1x1024xf32, #tpu.memory_space<hbm>>
        %dma_start3A_443 = tpu.memref_squeeze %dma_start3A_442 : memref<1x1x1024xf32, #tpu.memory_space<hbm>> -> memref<1024xf32, #tpu.memory_space<hbm>>
        %dma_start3A_444 = arith.constant 0 : i32
        %dma_start3A_445 = tpu.memref_slice %arg7[%dma_start3A_437, %dma_start3A_444] : memref<8x1024xf32, #tpu.memory_space<vmem>> -> memref<1x1024xf32, #tpu.memory_space<vmem>>
        %dma_start3A_446 = tpu.memref_squeeze %dma_start3A_445 : memref<1x1024xf32, #tpu.memory_space<vmem>> -> memref<1024xf32, #tpu.memory_space<vmem>>
        %dma_start3A_447 = arith.constant 0 : i32
        %dma_start3A_448 = tpu.memref_slice %arg2[%shift_right_logical3A_369, %add3A_436, %dma_start3A_447] : memref<16x1024x1024xf32, #tpu.memory_space<hbm>> -> memref<1x1x1024xf32, #tpu.memory_space<hbm>>
        %dma_start3A_449 = tpu.memref_squeeze %dma_start3A_448 : memref<1x1x1024xf32, #tpu.memory_space<hbm>> -> memref<1024xf32, #tpu.memory_space<hbm>>
        tpu.enqueue_dma source(%dma_start3A_449 : memref<1024xf32, #tpu.memory_space<hbm>>) target(%dma_start3A_446 : memref<1024xf32, #tpu.memory_space<vmem>>) target_semaphore(%arg11 : memref<!tpu.dma_semaphore, #tpu.memory_space<semaphore_mem>>)
        %add3A_450 = arith.constant 10 : i32
        %add3A_451 = arith.addi %add3A_374, %add3A_450 : i32
        %dma_start3A_452 = arith.constant 5 : i32
        %dma_start3A_453 = arith.constant 0 : i32
        %dma_start3A_454 = tpu.memref_slice %arg7[%dma_start3A_452, %dma_start3A_453] : memref<8x1024xf32, #tpu.memory_space<vmem>> -> memref<1x1024xf32, #tpu.memory_space<vmem>>
        %dma_start3A_455 = tpu.memref_squeeze %dma_start3A_454 : memref<1x1024xf32, #tpu.memory_space<vmem>> -> memref<1024xf32, #tpu.memory_space<vmem>>
        %dma_start3A_456 = arith.constant 0 : i32
        %dma_start3A_457 = tpu.memref_slice %arg2[%shift_right_logical3A_369, %add3A_451, %dma_start3A_456] : memref<16x1024x1024xf32, #tpu.memory_space<hbm>> -> memref<1x1x1024xf32, #tpu.memory_space<hbm>>
        %dma_start3A_458 = tpu.memref_squeeze %dma_start3A_457 : memref<1x1x1024xf32, #tpu.memory_space<hbm>> -> memref<1024xf32, #tpu.memory_space<hbm>>
        %dma_start3A_459 = arith.constant 0 : i32
        %dma_start3A_460 = tpu.memref_slice %arg7[%dma_start3A_452, %dma_start3A_459] : memref<8x1024xf32, #tpu.memory_space<vmem>> -> memref<1x1024xf32, #tpu.memory_space<vmem>>
        %dma_start3A_461 = tpu.memref_squeeze %dma_start3A_460 : memref<1x1024xf32, #tpu.memory_space<vmem>> -> memref<1024xf32, #tpu.memory_space<vmem>>
        %dma_start3A_462 = arith.constant 0 : i32
        %dma_start3A_463 = tpu.memref_slice %arg2[%shift_right_logical3A_369, %add3A_451, %dma_start3A_462] : memref<16x1024x1024xf32, #tpu.memory_space<hbm>> -> memref<1x1x1024xf32, #tpu.memory_space<hbm>>
        %dma_start3A_464 = tpu.memref_squeeze %dma_start3A_463 : memref<1x1x1024xf32, #tpu.memory_space<hbm>> -> memref<1024xf32, #tpu.memory_space<hbm>>
        tpu.enqueue_dma source(%dma_start3A_464 : memref<1024xf32, #tpu.memory_space<hbm>>) target(%dma_start3A_461 : memref<1024xf32, #tpu.memory_space<vmem>>) target_semaphore(%arg11 : memref<!tpu.dma_semaphore, #tpu.memory_space<semaphore_mem>>)
        %add3A_465 = arith.constant 12 : i32
        %add3A_466 = arith.addi %add3A_374, %add3A_465 : i32
        %dma_start3A_467 = arith.constant 6 : i32
        %dma_start3A_468 = arith.constant 0 : i32
        %dma_start3A_469 = tpu.memref_slice %arg7[%dma_start3A_467, %dma_start3A_468] : memref<8x1024xf32, #tpu.memory_space<vmem>> -> memref<1x1024xf32, #tpu.memory_space<vmem>>
        %dma_start3A_470 = tpu.memref_squeeze %dma_start3A_469 : memref<1x1024xf32, #tpu.memory_space<vmem>> -> memref<1024xf32, #tpu.memory_space<vmem>>
        %dma_start3A_471 = arith.constant 0 : i32
        %dma_start3A_472 = tpu.memref_slice %arg2[%shift_right_logical3A_369, %add3A_466, %dma_start3A_471] : memref<16x1024x1024xf32, #tpu.memory_space<hbm>> -> memref<1x1x1024xf32, #tpu.memory_space<hbm>>
        %dma_start3A_473 = tpu.memref_squeeze %dma_start3A_472 : memref<1x1x1024xf32, #tpu.memory_space<hbm>> -> memref<1024xf32, #tpu.memory_space<hbm>>
        %dma_start3A_474 = arith.constant 0 : i32
        %dma_start3A_475 = tpu.memref_slice %arg7[%dma_start3A_467, %dma_start3A_474] : memref<8x1024xf32, #tpu.memory_space<vmem>> -> memref<1x1024xf32, #tpu.memory_space<vmem>>
        %dma_start3A_476 = tpu.memref_squeeze %dma_start3A_475 : memref<1x1024xf32, #tpu.memory_space<vmem>> -> memref<1024xf32, #tpu.memory_space<vmem>>
        %dma_start3A_477 = arith.constant 0 : i32
        %dma_start3A_478 = tpu.memref_slice %arg2[%shift_right_logical3A_369, %add3A_466, %dma_start3A_477] : memref<16x1024x1024xf32, #tpu.memory_space<hbm>> -> memref<1x1x1024xf32, #tpu.memory_space<hbm>>
        %dma_start3A_479 = tpu.memref_squeeze %dma_start3A_478 : memref<1x1x1024xf32, #tpu.memory_space<hbm>> -> memref<1024xf32, #tpu.memory_space<hbm>>
        tpu.enqueue_dma source(%dma_start3A_479 : memref<1024xf32, #tpu.memory_space<hbm>>) target(%dma_start3A_476 : memref<1024xf32, #tpu.memory_space<vmem>>) target_semaphore(%arg11 : memref<!tpu.dma_semaphore, #tpu.memory_space<semaphore_mem>>)
        %add3A_480 = arith.constant 14 : i32
        %add3A_481 = arith.addi %add3A_374, %add3A_480 : i32
        %dma_start3A_482 = arith.constant 7 : i32
        %dma_start3A_483 = arith.constant 0 : i32
        %dma_start3A_484 = tpu.memref_slice %arg7[%dma_start3A_482, %dma_start3A_483] : memref<8x1024xf32, #tpu.memory_space<vmem>> -> memref<1x1024xf32, #tpu.memory_space<vmem>>
        %dma_start3A_485 = tpu.memref_squeeze %dma_start3A_484 : memref<1x1024xf32, #tpu.memory_space<vmem>> -> memref<1024xf32, #tpu.memory_space<vmem>>
        %dma_start3A_486 = arith.constant 0 : i32
        %dma_start3A_487 = tpu.memref_slice %arg2[%shift_right_logical3A_369, %add3A_481, %dma_start3A_486] : memref<16x1024x1024xf32, #tpu.memory_space<hbm>> -> memref<1x1x1024xf32, #tpu.memory_space<hbm>>
        %dma_start3A_488 = tpu.memref_squeeze %dma_start3A_487 : memref<1x1x1024xf32, #tpu.memory_space<hbm>> -> memref<1024xf32, #tpu.memory_space<hbm>>
        %dma_start3A_489 = arith.constant 0 : i32
        %dma_start3A_490 = tpu.memref_slice %arg7[%dma_start3A_482, %dma_start3A_489] : memref<8x1024xf32, #tpu.memory_space<vmem>> -> memref<1x1024xf32, #tpu.memory_space<vmem>>
        %dma_start3A_491 = tpu.memref_squeeze %dma_start3A_490 : memref<1x1024xf32, #tpu.memory_space<vmem>> -> memref<1024xf32, #tpu.memory_space<vmem>>
        %dma_start3A_492 = arith.constant 0 : i32
        %dma_start3A_493 = tpu.memref_slice %arg2[%shift_right_logical3A_369, %add3A_481, %dma_start3A_492] : memref<16x1024x1024xf32, #tpu.memory_space<hbm>> -> memref<1x1x1024xf32, #tpu.memory_space<hbm>>
        %dma_start3A_494 = tpu.memref_squeeze %dma_start3A_493 : memref<1x1x1024xf32, #tpu.memory_space<hbm>> -> memref<1024xf32, #tpu.memory_space<hbm>>
        tpu.enqueue_dma source(%dma_start3A_494 : memref<1024xf32, #tpu.memory_space<hbm>>) target(%dma_start3A_491 : memref<1024xf32, #tpu.memory_space<vmem>>) target_semaphore(%arg11 : memref<!tpu.dma_semaphore, #tpu.memory_space<semaphore_mem>>)
      } else {
      }
      %mul3A_323 = arith.constant 2 : i32
      %mul3A_324 = arith.muli %mul3A_323, %scan3A_286 : i32
      %add3A_325 = arith.constant 1 : i32
      %add3A_326 = arith.addi %mul3A_324, %add3A_325 : i32
      %shift_right_logical3A_327 = arith.constant 1 : i32
      %shift_right_logical3A_328 = arith.shrui %add3A_326, %shift_right_logical3A_327 : i32
      %and3A_329 = arith.constant 1 : i32
      %and3A_330 = arith.andi %add3A_326, %and3A_329 : i32
      %mul3A_331 = arith.constant 16 : i32
      %mul3A_332 = arith.muli %and3A_330, %mul3A_331 : i32
      %add3A_333 = arith.addi %mul3A_2, %mul3A_332 : i32
      %ge3A_334 = arith.constant 2 : i32
      %ge3A_335 = arith.cmpi sge, %add3A_326, %ge3A_334 : i32
      %convert_element_type3A_336 = arith.extui %ge3A_335 : i1 to i32
      %cond3A_337 = arith.constant 0 : i32
      %cond3A_338 = arith.cmpi ne, %convert_element_type3A_336, %cond3A_337 : i32
      scf.if %cond3A_338 {
        %dma_wait3A_366 = arith.constant 0 : i32
        %dma_wait3A_367 = arith.constant 0 : i32
        %dma_wait3A_368 = arith.constant 0 : i32
        %dma_wait3A_369 = tpu.memref_slice %arg4[%dma_wait3A_366, %dma_wait3A_367, %dma_wait3A_368] : memref<16x1024x1024xf32, #tpu.memory_space<hbm>> -> memref<1x16x1024xf32, #tpu.memory_space<hbm>>
        %dma_wait3A_370 = tpu.memref_squeeze %dma_wait3A_369 : memref<1x16x1024xf32, #tpu.memory_space<hbm>> -> memref<16x1024xf32, #tpu.memory_space<hbm>>
        %dma_wait3A_371 = arith.constant 0 : i32
        %dma_wait3A_372 = arith.constant 0 : i32
        %dma_wait3A_373 = tpu.memref_slice %arg4[%dma_wait3A_366, %dma_wait3A_371, %dma_wait3A_372] : memref<16x1024x1024xf32, #tpu.memory_space<hbm>> -> memref<1x16x1024xf32, #tpu.memory_space<hbm>>
        %dma_wait3A_374 = tpu.memref_squeeze %dma_wait3A_373 : memref<1x16x1024xf32, #tpu.memory_space<hbm>> -> memref<16x1024xf32, #tpu.memory_space<hbm>>
        tpu.wait_dma2 semaphore(%arg14 : memref<!tpu.dma_semaphore, #tpu.memory_space<semaphore_mem>>) src(%arg10 : memref<16x1024xf32, #tpu.memory_space<vmem>>) dst(%dma_wait3A_374 : memref<16x1024xf32, #tpu.memory_space<hbm>>)
      } else {
      }
      %dma_wait3A_339 = arith.constant 0 : i32
      %dma_wait3A_340 = arith.constant 0 : i32
      %dma_wait3A_341 = arith.constant 0 : i32
      %dma_wait3A_342 = tpu.memref_slice %arg2[%dma_wait3A_339, %dma_wait3A_340, %dma_wait3A_341] : memref<16x1024x1024xf32, #tpu.memory_space<hbm>> -> memref<1x8x1024xf32, #tpu.memory_space<hbm>>
      %dma_wait3A_343 = tpu.memref_squeeze %dma_wait3A_342 : memref<1x8x1024xf32, #tpu.memory_space<hbm>> -> memref<8x1024xf32, #tpu.memory_space<hbm>>
      %dma_wait3A_344 = arith.constant 0 : i32
      %dma_wait3A_345 = arith.constant 0 : i32
      %dma_wait3A_346 = tpu.memref_slice %arg2[%dma_wait3A_339, %dma_wait3A_344, %dma_wait3A_345] : memref<16x1024x1024xf32, #tpu.memory_space<hbm>> -> memref<1x8x1024xf32, #tpu.memory_space<hbm>>
      %dma_wait3A_347 = tpu.memref_squeeze %dma_wait3A_346 : memref<1x8x1024xf32, #tpu.memory_space<hbm>> -> memref<8x1024xf32, #tpu.memory_space<hbm>>
      tpu.wait_dma2 semaphore(%arg12 : memref<!tpu.dma_semaphore, #tpu.memory_space<semaphore_mem>>) src(%dma_wait3A_347 : memref<8x1024xf32, #tpu.memory_space<hbm>>) dst(%arg8 : memref<8x1024xf32, #tpu.memory_space<vmem>>)
      %mul3A_348 = arith.constant 8 : i32
      %mul3A_349 = arith.muli %and3A_330, %mul3A_348 : i32
      %parallel_loop3A_350 = arith.constant 0 : i32
      %parallel_loop3A_351 = arith.constant 512 : i32
      %parallel_loop3A_352 = arith.constant 1 : i32
      scf.for %parallel_loop3A_366 = %parallel_loop3A_350 to %parallel_loop3A_351 step %parallel_loop3A_352  : i32 {
        %parallel_loop3A_367 = arith.constant 6 : i32
        %parallel_loop3A_368 = arith.shrui %parallel_loop3A_366, %parallel_loop3A_367 : i32
        %parallel_loop3A_369 = arith.constant 63 : i32
        %parallel_loop3A_370 = arith.andi %parallel_loop3A_366, %parallel_loop3A_369 : i32
        %parallel_loop3A_371 = arith.constant 16 : i32
        %parallel_loop3A_372 = arith.muli %parallel_loop3A_370, %parallel_loop3A_371 : i32
        %parallel_loop3A_373 = arith.index_cast %parallel_loop3A_368 : i32 to index
        %parallel_loop3A_374 = arith.index_cast %parallel_loop3A_372 : i32 to index
        %parallel_loop3A_375 = tpu.vector_load %arg8[%parallel_loop3A_373, %parallel_loop3A_374] {strides = array<i32>} : memref<8x1024xf32, #tpu.memory_space<vmem>>, vector<16xf32>,
        %parallel_loop3A_376 = arith.addi %mul3A_349, %parallel_loop3A_368 : i32
        %parallel_loop3A_377 = arith.constant 1024 : i32
        %parallel_loop3A_378 = arith.muli %parallel_loop3A_376, %parallel_loop3A_377 : i32
        %parallel_loop3A_379 = arith.addi %parallel_loop3A_378, %parallel_loop3A_372 : i32
        %parallel_loop3A_380 = arith.index_cast %parallel_loop3A_379 : i32 to index
        %parallel_loop3A_381 = tpu.vector_load %arg5[%parallel_loop3A_380] {strides = array<i32>} : memref<16384xf32, #tpu.memory_space<vmem>>, vector<16xf32>,
        %parallel_loop3A_382 = arith.mulf %parallel_loop3A_375, %parallel_loop3A_381 : vector<16xf32>
        %parallel_loop3A_383 = arith.constant 2 : i32
        %parallel_loop3A_384 = arith.muli %parallel_loop3A_383, %parallel_loop3A_368 : i32
        %parallel_loop3A_385 = arith.index_cast %parallel_loop3A_384 : i32 to index
        %parallel_loop3A_386 = arith.index_cast %parallel_loop3A_372 : i32 to index
        %parallel_loop3A_387 = tpu.vector_load %arg10[%parallel_loop3A_385, %parallel_loop3A_386] {strides = array<i32>} : memref<16x1024xf32, #tpu.memory_space<vmem>>, vector<16xf32>,
        tpu.vector_store %arg10[%parallel_loop3A_385, %parallel_loop3A_386], %parallel_loop3A_382 {strides = array<i32>} : memref<16x1024xf32, #tpu.memory_space<vmem>>, vector<16xf32>,
      } {sc.loop_unroll_factor = 8 : i64, sc.parallel_access}
      %dma_start3A_353 = arith.constant 0 : i32
      %dma_start3A_354 = tpu.memref_slice %arg4[%shift_right_logical3A_328, %add3A_333, %dma_start3A_353] : memref<16x1024x1024xf32, #tpu.memory_space<hbm>> -> memref<1x16x1024xf32, #tpu.memory_space<hbm>>
      %dma_start3A_355 = tpu.memref_squeeze %dma_start3A_354 : memref<1x16x1024xf32, #tpu.memory_space<hbm>> -> memref<16x1024xf32, #tpu.memory_space<hbm>>
      %dma_start3A_356 = arith.constant 0 : i32
      %dma_start3A_357 = tpu.memref_slice %arg4[%shift_right_logical3A_328, %add3A_333, %dma_start3A_356] : memref<16x1024x1024xf32, #tpu.memory_space<hbm>> -> memref<1x16x1024xf32, #tpu.memory_space<hbm>>
      %dma_start3A_358 = tpu.memref_squeeze %dma_start3A_357 : memref<1x16x1024xf32, #tpu.memory_space<hbm>> -> memref<16x1024xf32, #tpu.memory_space<hbm>>
      tpu.enqueue_dma source(%arg10 : memref<16x1024xf32, #tpu.memory_space<vmem>>) target(%dma_start3A_358 : memref<16x1024xf32, #tpu.memory_space<hbm>>) target_semaphore(%arg14 : memref<!tpu.dma_semaphore, #tpu.memory_space<semaphore_mem>>)
      %add3A_359 = arith.constant 2 : i32
      %add3A_360 = arith.addi %add3A_326, %add3A_359 : i32
      %lt3A_361 = arith.constant 32 : i32
      %lt3A_362 = arith.cmpi slt, %add3A_360, %lt3A_361 : i32
      %convert_element_type3A_363 = arith.extui %lt3A_362 : i1 to i32
      %cond3A_364 = arith.constant 0 : i32
      %cond3A_365 = arith.cmpi ne, %convert_element_type3A_363, %cond3A_364 : i32
      scf.if %cond3A_365 {
        %add3A_366 = arith.constant 2 : i32
        %add3A_367 = arith.addi %add3A_326, %add3A_366 : i32
        %shift_right_logical3A_368 = arith.constant 1 : i32
        %shift_right_logical3A_369 = arith.shrui %add3A_367, %shift_right_logical3A_368 : i32
        %and3A_370 = arith.constant 1 : i32
        %and3A_371 = arith.andi %add3A_367, %and3A_370 : i32
        %mul3A_372 = arith.constant 16 : i32
        %mul3A_373 = arith.muli %and3A_371, %mul3A_372 : i32
        %add3A_374 = arith.addi %mul3A_2, %mul3A_373 : i32
        %add3A_375 = arith.constant 0 : i32
        %add3A_376 = arith.addi %add3A_374, %add3A_375 : i32
        %dma_start3A_377 = arith.constant 0 : i32
        %dma_start3A_378 = arith.constant 0 : i32
        %dma_start3A_379 = tpu.memref_slice %arg8[%dma_start3A_377, %dma_start3A_378] : memref<8x1024xf32, #tpu.memory_space<vmem>> -> memref<1x1024xf32, #tpu.memory_space<vmem>>
        %dma_start3A_380 = tpu.memref_squeeze %dma_start3A_379 : memref<1x1024xf32, #tpu.memory_space<vmem>> -> memref<1024xf32, #tpu.memory_space<vmem>>
        %dma_start3A_381 = arith.constant 0 : i32
        %dma_start3A_382 = tpu.memref_slice %arg2[%shift_right_logical3A_369, %add3A_376, %dma_start3A_381] : memref<16x1024x1024xf32, #tpu.memory_space<hbm>> -> memref<1x1x1024xf32, #tpu.memory_space<hbm>>
        %dma_start3A_383 = tpu.memref_squeeze %dma_start3A_382 : memref<1x1x1024xf32, #tpu.memory_space<hbm>> -> memref<1024xf32, #tpu.memory_space<hbm>>
        %dma_start3A_384 = arith.constant 0 : i32
        %dma_start3A_385 = tpu.memref_slice %arg8[%dma_start3A_377, %dma_start3A_384] : memref<8x1024xf32, #tpu.memory_space<vmem>> -> memref<1x1024xf32, #tpu.memory_space<vmem>>
        %dma_start3A_386 = tpu.memref_squeeze %dma_start3A_385 : memref<1x1024xf32, #tpu.memory_space<vmem>> -> memref<1024xf32, #tpu.memory_space<vmem>>
        %dma_start3A_387 = arith.constant 0 : i32
        %dma_start3A_388 = tpu.memref_slice %arg2[%shift_right_logical3A_369, %add3A_376, %dma_start3A_387] : memref<16x1024x1024xf32, #tpu.memory_space<hbm>> -> memref<1x1x1024xf32, #tpu.memory_space<hbm>>
        %dma_start3A_389 = tpu.memref_squeeze %dma_start3A_388 : memref<1x1x1024xf32, #tpu.memory_space<hbm>> -> memref<1024xf32, #tpu.memory_space<hbm>>
        tpu.enqueue_dma source(%dma_start3A_389 : memref<1024xf32, #tpu.memory_space<hbm>>) target(%dma_start3A_386 : memref<1024xf32, #tpu.memory_space<vmem>>) target_semaphore(%arg12 : memref<!tpu.dma_semaphore, #tpu.memory_space<semaphore_mem>>)
        %add3A_390 = arith.constant 2 : i32
        %add3A_391 = arith.addi %add3A_374, %add3A_390 : i32
        %dma_start3A_392 = arith.constant 1 : i32
        %dma_start3A_393 = arith.constant 0 : i32
        %dma_start3A_394 = tpu.memref_slice %arg8[%dma_start3A_392, %dma_start3A_393] : memref<8x1024xf32, #tpu.memory_space<vmem>> -> memref<1x1024xf32, #tpu.memory_space<vmem>>
        %dma_start3A_395 = tpu.memref_squeeze %dma_start3A_394 : memref<1x1024xf32, #tpu.memory_space<vmem>> -> memref<1024xf32, #tpu.memory_space<vmem>>
        %dma_start3A_396 = arith.constant 0 : i32
        %dma_start3A_397 = tpu.memref_slice %arg2[%shift_right_logical3A_369, %add3A_391, %dma_start3A_396] : memref<16x1024x1024xf32, #tpu.memory_space<hbm>> -> memref<1x1x1024xf32, #tpu.memory_space<hbm>>
        %dma_start3A_398 = tpu.memref_squeeze %dma_start3A_397 : memref<1x1x1024xf32, #tpu.memory_space<hbm>> -> memref<1024xf32, #tpu.memory_space<hbm>>
        %dma_start3A_399 = arith.constant 0 : i32
        %dma_start3A_400 = tpu.memref_slice %arg8[%dma_start3A_392, %dma_start3A_399] : memref<8x1024xf32, #tpu.memory_space<vmem>> -> memref<1x1024xf32, #tpu.memory_space<vmem>>
        %dma_start3A_401 = tpu.memref_squeeze %dma_start3A_400 : memref<1x1024xf32, #tpu.memory_space<vmem>> -> memref<1024xf32, #tpu.memory_space<vmem>>
        %dma_start3A_402 = arith.constant 0 : i32
        %dma_start3A_403 = tpu.memref_slice %arg2[%shift_right_logical3A_369, %add3A_391, %dma_start3A_402] : memref<16x1024x1024xf32, #tpu.memory_space<hbm>> -> memref<1x1x1024xf32, #tpu.memory_space<hbm>>
        %dma_start3A_404 = tpu.memref_squeeze %dma_start3A_403 : memref<1x1x1024xf32, #tpu.memory_space<hbm>> -> memref<1024xf32, #tpu.memory_space<hbm>>
        tpu.enqueue_dma source(%dma_start3A_404 : memref<1024xf32, #tpu.memory_space<hbm>>) target(%dma_start3A_401 : memref<1024xf32, #tpu.memory_space<vmem>>) target_semaphore(%arg12 : memref<!tpu.dma_semaphore, #tpu.memory_space<semaphore_mem>>)
        %add3A_405 = arith.constant 4 : i32
        %add3A_406 = arith.addi %add3A_374, %add3A_405 : i32
        %dma_start3A_407 = arith.constant 2 : i32
        %dma_start3A_408 = arith.constant 0 : i32
        %dma_start3A_409 = tpu.memref_slice %arg8[%dma_start3A_407, %dma_start3A_408] : memref<8x1024xf32, #tpu.memory_space<vmem>> -> memref<1x1024xf32, #tpu.memory_space<vmem>>
        %dma_start3A_410 = tpu.memref_squeeze %dma_start3A_409 : memref<1x1024xf32, #tpu.memory_space<vmem>> -> memref<1024xf32, #tpu.memory_space<vmem>>
        %dma_start3A_411 = arith.constant 0 : i32
        %dma_start3A_412 = tpu.memref_slice %arg2[%shift_right_logical3A_369, %add3A_406, %dma_start3A_411] : memref<16x1024x1024xf32, #tpu.memory_space<hbm>> -> memref<1x1x1024xf32, #tpu.memory_space<hbm>>
        %dma_start3A_413 = tpu.memref_squeeze %dma_start3A_412 : memref<1x1x1024xf32, #tpu.memory_space<hbm>> -> memref<1024xf32, #tpu.memory_space<hbm>>
        %dma_start3A_414 = arith.constant 0 : i32
        %dma_start3A_415 = tpu.memref_slice %arg8[%dma_start3A_407, %dma_start3A_414] : memref<8x1024xf32, #tpu.memory_space<vmem>> -> memref<1x1024xf32, #tpu.memory_space<vmem>>
        %dma_start3A_416 = tpu.memref_squeeze %dma_start3A_415 : memref<1x1024xf32, #tpu.memory_space<vmem>> -> memref<1024xf32, #tpu.memory_space<vmem>>
        %dma_start3A_417 = arith.constant 0 : i32
        %dma_start3A_418 = tpu.memref_slice %arg2[%shift_right_logical3A_369, %add3A_406, %dma_start3A_417] : memref<16x1024x1024xf32, #tpu.memory_space<hbm>> -> memref<1x1x1024xf32, #tpu.memory_space<hbm>>
        %dma_start3A_419 = tpu.memref_squeeze %dma_start3A_418 : memref<1x1x1024xf32, #tpu.memory_space<hbm>> -> memref<1024xf32, #tpu.memory_space<hbm>>
        tpu.enqueue_dma source(%dma_start3A_419 : memref<1024xf32, #tpu.memory_space<hbm>>) target(%dma_start3A_416 : memref<1024xf32, #tpu.memory_space<vmem>>) target_semaphore(%arg12 : memref<!tpu.dma_semaphore, #tpu.memory_space<semaphore_mem>>)
        %add3A_420 = arith.constant 6 : i32
        %add3A_421 = arith.addi %add3A_374, %add3A_420 : i32
        %dma_start3A_422 = arith.constant 3 : i32
        %dma_start3A_423 = arith.constant 0 : i32
        %dma_start3A_424 = tpu.memref_slice %arg8[%dma_start3A_422, %dma_start3A_423] : memref<8x1024xf32, #tpu.memory_space<vmem>> -> memref<1x1024xf32, #tpu.memory_space<vmem>>
        %dma_start3A_425 = tpu.memref_squeeze %dma_start3A_424 : memref<1x1024xf32, #tpu.memory_space<vmem>> -> memref<1024xf32, #tpu.memory_space<vmem>>
        %dma_start3A_426 = arith.constant 0 : i32
        %dma_start3A_427 = tpu.memref_slice %arg2[%shift_right_logical3A_369, %add3A_421, %dma_start3A_426] : memref<16x1024x1024xf32, #tpu.memory_space<hbm>> -> memref<1x1x1024xf32, #tpu.memory_space<hbm>>
        %dma_start3A_428 = tpu.memref_squeeze %dma_start3A_427 : memref<1x1x1024xf32, #tpu.memory_space<hbm>> -> memref<1024xf32, #tpu.memory_space<hbm>>
        %dma_start3A_429 = arith.constant 0 : i32
        %dma_start3A_430 = tpu.memref_slice %arg8[%dma_start3A_422, %dma_start3A_429] : memref<8x1024xf32, #tpu.memory_space<vmem>> -> memref<1x1024xf32, #tpu.memory_space<vmem>>
        %dma_start3A_431 = tpu.memref_squeeze %dma_start3A_430 : memref<1x1024xf32, #tpu.memory_space<vmem>> -> memref<1024xf32, #tpu.memory_space<vmem>>
        %dma_start3A_432 = arith.constant 0 : i32
        %dma_start3A_433 = tpu.memref_slice %arg2[%shift_right_logical3A_369, %add3A_421, %dma_start3A_432] : memref<16x1024x1024xf32, #tpu.memory_space<hbm>> -> memref<1x1x1024xf32, #tpu.memory_space<hbm>>
        %dma_start3A_434 = tpu.memref_squeeze %dma_start3A_433 : memref<1x1x1024xf32, #tpu.memory_space<hbm>> -> memref<1024xf32, #tpu.memory_space<hbm>>
        tpu.enqueue_dma source(%dma_start3A_434 : memref<1024xf32, #tpu.memory_space<hbm>>) target(%dma_start3A_431 : memref<1024xf32, #tpu.memory_space<vmem>>) target_semaphore(%arg12 : memref<!tpu.dma_semaphore, #tpu.memory_space<semaphore_mem>>)
        %add3A_435 = arith.constant 8 : i32
        %add3A_436 = arith.addi %add3A_374, %add3A_435 : i32
        %dma_start3A_437 = arith.constant 4 : i32
        %dma_start3A_438 = arith.constant 0 : i32
        %dma_start3A_439 = tpu.memref_slice %arg8[%dma_start3A_437, %dma_start3A_438] : memref<8x1024xf32, #tpu.memory_space<vmem>> -> memref<1x1024xf32, #tpu.memory_space<vmem>>
        %dma_start3A_440 = tpu.memref_squeeze %dma_start3A_439 : memref<1x1024xf32, #tpu.memory_space<vmem>> -> memref<1024xf32, #tpu.memory_space<vmem>>
        %dma_start3A_441 = arith.constant 0 : i32
        %dma_start3A_442 = tpu.memref_slice %arg2[%shift_right_logical3A_369, %add3A_436, %dma_start3A_441] : memref<16x1024x1024xf32, #tpu.memory_space<hbm>> -> memref<1x1x1024xf32, #tpu.memory_space<hbm>>
        %dma_start3A_443 = tpu.memref_squeeze %dma_start3A_442 : memref<1x1x1024xf32, #tpu.memory_space<hbm>> -> memref<1024xf32, #tpu.memory_space<hbm>>
        %dma_start3A_444 = arith.constant 0 : i32
        %dma_start3A_445 = tpu.memref_slice %arg8[%dma_start3A_437, %dma_start3A_444] : memref<8x1024xf32, #tpu.memory_space<vmem>> -> memref<1x1024xf32, #tpu.memory_space<vmem>>
        %dma_start3A_446 = tpu.memref_squeeze %dma_start3A_445 : memref<1x1024xf32, #tpu.memory_space<vmem>> -> memref<1024xf32, #tpu.memory_space<vmem>>
        %dma_start3A_447 = arith.constant 0 : i32
        %dma_start3A_448 = tpu.memref_slice %arg2[%shift_right_logical3A_369, %add3A_436, %dma_start3A_447] : memref<16x1024x1024xf32, #tpu.memory_space<hbm>> -> memref<1x1x1024xf32, #tpu.memory_space<hbm>>
        %dma_start3A_449 = tpu.memref_squeeze %dma_start3A_448 : memref<1x1x1024xf32, #tpu.memory_space<hbm>> -> memref<1024xf32, #tpu.memory_space<hbm>>
        tpu.enqueue_dma source(%dma_start3A_449 : memref<1024xf32, #tpu.memory_space<hbm>>) target(%dma_start3A_446 : memref<1024xf32, #tpu.memory_space<vmem>>) target_semaphore(%arg12 : memref<!tpu.dma_semaphore, #tpu.memory_space<semaphore_mem>>)
        %add3A_450 = arith.constant 10 : i32
        %add3A_451 = arith.addi %add3A_374, %add3A_450 : i32
        %dma_start3A_452 = arith.constant 5 : i32
        %dma_start3A_453 = arith.constant 0 : i32
        %dma_start3A_454 = tpu.memref_slice %arg8[%dma_start3A_452, %dma_start3A_453] : memref<8x1024xf32, #tpu.memory_space<vmem>> -> memref<1x1024xf32, #tpu.memory_space<vmem>>
        %dma_start3A_455 = tpu.memref_squeeze %dma_start3A_454 : memref<1x1024xf32, #tpu.memory_space<vmem>> -> memref<1024xf32, #tpu.memory_space<vmem>>
        %dma_start3A_456 = arith.constant 0 : i32
        %dma_start3A_457 = tpu.memref_slice %arg2[%shift_right_logical3A_369, %add3A_451, %dma_start3A_456] : memref<16x1024x1024xf32, #tpu.memory_space<hbm>> -> memref<1x1x1024xf32, #tpu.memory_space<hbm>>
        %dma_start3A_458 = tpu.memref_squeeze %dma_start3A_457 : memref<1x1x1024xf32, #tpu.memory_space<hbm>> -> memref<1024xf32, #tpu.memory_space<hbm>>
        %dma_start3A_459 = arith.constant 0 : i32
        %dma_start3A_460 = tpu.memref_slice %arg8[%dma_start3A_452, %dma_start3A_459] : memref<8x1024xf32, #tpu.memory_space<vmem>> -> memref<1x1024xf32, #tpu.memory_space<vmem>>
        %dma_start3A_461 = tpu.memref_squeeze %dma_start3A_460 : memref<1x1024xf32, #tpu.memory_space<vmem>> -> memref<1024xf32, #tpu.memory_space<vmem>>
        %dma_start3A_462 = arith.constant 0 : i32
        %dma_start3A_463 = tpu.memref_slice %arg2[%shift_right_logical3A_369, %add3A_451, %dma_start3A_462] : memref<16x1024x1024xf32, #tpu.memory_space<hbm>> -> memref<1x1x1024xf32, #tpu.memory_space<hbm>>
        %dma_start3A_464 = tpu.memref_squeeze %dma_start3A_463 : memref<1x1x1024xf32, #tpu.memory_space<hbm>> -> memref<1024xf32, #tpu.memory_space<hbm>>
        tpu.enqueue_dma source(%dma_start3A_464 : memref<1024xf32, #tpu.memory_space<hbm>>) target(%dma_start3A_461 : memref<1024xf32, #tpu.memory_space<vmem>>) target_semaphore(%arg12 : memref<!tpu.dma_semaphore, #tpu.memory_space<semaphore_mem>>)
        %add3A_465 = arith.constant 12 : i32
        %add3A_466 = arith.addi %add3A_374, %add3A_465 : i32
        %dma_start3A_467 = arith.constant 6 : i32
        %dma_start3A_468 = arith.constant 0 : i32
        %dma_start3A_469 = tpu.memref_slice %arg8[%dma_start3A_467, %dma_start3A_468] : memref<8x1024xf32, #tpu.memory_space<vmem>> -> memref<1x1024xf32, #tpu.memory_space<vmem>>
        %dma_start3A_470 = tpu.memref_squeeze %dma_start3A_469 : memref<1x1024xf32, #tpu.memory_space<vmem>> -> memref<1024xf32, #tpu.memory_space<vmem>>
        %dma_start3A_471 = arith.constant 0 : i32
        %dma_start3A_472 = tpu.memref_slice %arg2[%shift_right_logical3A_369, %add3A_466, %dma_start3A_471] : memref<16x1024x1024xf32, #tpu.memory_space<hbm>> -> memref<1x1x1024xf32, #tpu.memory_space<hbm>>
        %dma_start3A_473 = tpu.memref_squeeze %dma_start3A_472 : memref<1x1x1024xf32, #tpu.memory_space<hbm>> -> memref<1024xf32, #tpu.memory_space<hbm>>
        %dma_start3A_474 = arith.constant 0 : i32
        %dma_start3A_475 = tpu.memref_slice %arg8[%dma_start3A_467, %dma_start3A_474] : memref<8x1024xf32, #tpu.memory_space<vmem>> -> memref<1x1024xf32, #tpu.memory_space<vmem>>
        %dma_start3A_476 = tpu.memref_squeeze %dma_start3A_475 : memref<1x1024xf32, #tpu.memory_space<vmem>> -> memref<1024xf32, #tpu.memory_space<vmem>>
        %dma_start3A_477 = arith.constant 0 : i32
        %dma_start3A_478 = tpu.memref_slice %arg2[%shift_right_logical3A_369, %add3A_466, %dma_start3A_477] : memref<16x1024x1024xf32, #tpu.memory_space<hbm>> -> memref<1x1x1024xf32, #tpu.memory_space<hbm>>
        %dma_start3A_479 = tpu.memref_squeeze %dma_start3A_478 : memref<1x1x1024xf32, #tpu.memory_space<hbm>> -> memref<1024xf32, #tpu.memory_space<hbm>>
        tpu.enqueue_dma source(%dma_start3A_479 : memref<1024xf32, #tpu.memory_space<hbm>>) target(%dma_start3A_476 : memref<1024xf32, #tpu.memory_space<vmem>>) target_semaphore(%arg12 : memref<!tpu.dma_semaphore, #tpu.memory_space<semaphore_mem>>)
        %add3A_480 = arith.constant 14 : i32
        %add3A_481 = arith.addi %add3A_374, %add3A_480 : i32
        %dma_start3A_482 = arith.constant 7 : i32
        %dma_start3A_483 = arith.constant 0 : i32
        %dma_start3A_484 = tpu.memref_slice %arg8[%dma_start3A_482, %dma_start3A_483] : memref<8x1024xf32, #tpu.memory_space<vmem>> -> memref<1x1024xf32, #tpu.memory_space<vmem>>
        %dma_start3A_485 = tpu.memref_squeeze %dma_start3A_484 : memref<1x1024xf32, #tpu.memory_space<vmem>> -> memref<1024xf32, #tpu.memory_space<vmem>>
        %dma_start3A_486 = arith.constant 0 : i32
        %dma_start3A_487 = tpu.memref_slice %arg2[%shift_right_logical3A_369, %add3A_481, %dma_start3A_486] : memref<16x1024x1024xf32, #tpu.memory_space<hbm>> -> memref<1x1x1024xf32, #tpu.memory_space<hbm>>
        %dma_start3A_488 = tpu.memref_squeeze %dma_start3A_487 : memref<1x1x1024xf32, #tpu.memory_space<hbm>> -> memref<1024xf32, #tpu.memory_space<hbm>>
        %dma_start3A_489 = arith.constant 0 : i32
        %dma_start3A_490 = tpu.memref_slice %arg8[%dma_start3A_482, %dma_start3A_489] : memref<8x1024xf32, #tpu.memory_space<vmem>> -> memref<1x1024xf32, #tpu.memory_space<vmem>>
        %dma_start3A_491 = tpu.memref_squeeze %dma_start3A_490 : memref<1x1024xf32, #tpu.memory_space<vmem>> -> memref<1024xf32, #tpu.memory_space<vmem>>
        %dma_start3A_492 = arith.constant 0 : i32
        %dma_start3A_493 = tpu.memref_slice %arg2[%shift_right_logical3A_369, %add3A_481, %dma_start3A_492] : memref<16x1024x1024xf32, #tpu.memory_space<hbm>> -> memref<1x1x1024xf32, #tpu.memory_space<hbm>>
        %dma_start3A_494 = tpu.memref_squeeze %dma_start3A_493 : memref<1x1x1024xf32, #tpu.memory_space<hbm>> -> memref<1024xf32, #tpu.memory_space<hbm>>
        tpu.enqueue_dma source(%dma_start3A_494 : memref<1024xf32, #tpu.memory_space<hbm>>) target(%dma_start3A_491 : memref<1024xf32, #tpu.memory_space<vmem>>) target_semaphore(%arg12 : memref<!tpu.dma_semaphore, #tpu.memory_space<semaphore_mem>>)
      } else {
      }
    }
    %scan3A_268 = arith.constant 16 : i32
    %dma_wait3A = arith.constant 0 : i32
    %dma_wait3A_269 = arith.constant 0 : i32
    %dma_wait3A_270 = arith.constant 0 : i32
    %dma_wait3A_271 = tpu.memref_slice %arg4[%dma_wait3A, %dma_wait3A_269, %dma_wait3A_270] : memref<16x1024x1024xf32, #tpu.memory_space<hbm>> -> memref<1x16x1024xf32, #tpu.memory_space<hbm>>
    %dma_wait3A_272 = tpu.memref_squeeze %dma_wait3A_271 : memref<1x16x1024xf32, #tpu.memory_space<hbm>> -> memref<16x1024xf32, #tpu.memory_space<hbm>>
    %dma_wait3A_273 = arith.constant 0 : i32
    %dma_wait3A_274 = arith.constant 0 : i32
    %dma_wait3A_275 = tpu.memref_slice %arg4[%dma_wait3A, %dma_wait3A_273, %dma_wait3A_274] : memref<16x1024x1024xf32, #tpu.memory_space<hbm>> -> memref<1x16x1024xf32, #tpu.memory_space<hbm>>
    %dma_wait3A_276 = tpu.memref_squeeze %dma_wait3A_275 : memref<1x16x1024xf32, #tpu.memory_space<hbm>> -> memref<16x1024xf32, #tpu.memory_space<hbm>>
    tpu.wait_dma2 semaphore(%arg13 : memref<!tpu.dma_semaphore, #tpu.memory_space<semaphore_mem>>) src(%arg9 : memref<16x1024xf32, #tpu.memory_space<vmem>>) dst(%dma_wait3A_276 : memref<16x1024xf32, #tpu.memory_space<hbm>>)
    %dma_wait3A_277 = arith.constant 0 : i32
    %dma_wait3A_278 = arith.constant 0 : i32
    %dma_wait3A_279 = arith.constant 0 : i32
    %dma_wait3A_280 = tpu.memref_slice %arg4[%dma_wait3A_277, %dma_wait3A_278, %dma_wait3A_279] : memref<16x1024x1024xf32, #tpu.memory_space<hbm>> -> memref<1x16x1024xf32, #tpu.memory_space<hbm>>
    %dma_wait3A_281 = tpu.memref_squeeze %dma_wait3A_280 : memref<1x16x1024xf32, #tpu.memory_space<hbm>> -> memref<16x1024xf32, #tpu.memory_space<hbm>>
    %dma_wait3A_282 = arith.constant 0 : i32
    %dma_wait3A_283 = arith.constant 0 : i32
    %dma_wait3A_284 = tpu.memref_slice %arg4[%dma_wait3A_277, %dma_wait3A_282, %dma_wait3A_283] : memref<16x1024x1024xf32, #tpu.memory_space<hbm>> -> memref<1x16x1024xf32, #tpu.memory_space<hbm>>
    %dma_wait3A_285 = tpu.memref_squeeze %dma_wait3A_284 : memref<1x16x1024xf32, #tpu.memory_space<hbm>> -> memref<16x1024xf32, #tpu.memory_space<hbm>>
    tpu.wait_dma2 semaphore(%arg14 : memref<!tpu.dma_semaphore, #tpu.memory_space<semaphore_mem>>) src(%arg10 : memref<16x1024xf32, #tpu.memory_space<vmem>>) dst(%dma_wait3A_285 : memref<16x1024xf32, #tpu.memory_space<hbm>>)
    return
  }
}

</mosaic_0001>

<sc_bundles>
// kernel: kernel.3.cloned.1.call-start
scs
__scs_entry_jumppad:
0x0: {  	(pc) =	sbr.rel $0x88, $3  }
0x1: {  	(tag) =	ssettag $0x0;
	lr =	simm.s32 $0x1  }
0x2: {  	[smem:$0x3F9F] =	sst lr;
	_ =	strace $0xD0000000  }
0x3: {  	_ = 	snop  }
0x4: {  	_ = 	snop  }
0x5: {  	_ = 	snop  }
0x6: {  	_ = 	snop  }
0x7: {  	_ = 	snop  }
__scs_overlays_trampoline_lowered:
0x8: {  	[smem:$0x3FAE] =	sst s0  }
0x9: {  	[smem:$0x3FAF] =	sst s1  }
0xa: {  	[smem:$0x3FB0] =	sst s2  }
0xb: {  	[smem:$0x3FB1] =	sst s3  }
0xc: {  	[smem:$0x3FB2] =	sst s4  }
0xd: {  	[smem:$0x3FB3] =	sst s5  }
0xe: {  	[smem:$0x3FB4] =	sst s6  }
0xf: {  	[smem:$0x3FB5] =	sst s7  }
0x10: {  	[smem:$0x3FB6] =	sst s8  }
0x11: {  	[smem:$0x3FB7] =	sst s9;
	s0 =	simm.s32 @!p0 $0x0  }
0x12: {  	s1 =	sld [smem:$0x3F9D];
	s0 =	simm.s32 @p0 $0x1  }
0x13: {  	[smem:$0x3FB8] =	sst s0;
	s0 =	simm.s32 @!p1 $0x0  }
0x14: {  	s2 =	sld [smem:$0x3F9C];
	s0 =	simm.s32 @p1 $0x1  }
0x15: {  	[smem:$0x3FB9] =	sst s0;
	s0 =	simm.s32 @!p2 $0x0  }
0x16: {  	s3 =	sld [smem:$0x3FDB];
	s0 =	simm.s32 @p2 $0x1  }
0x17: {  	s4 =	simm.s32 $0x1BF5;
	[smem:$0x3FBB] =	sst s0  }
0x18: {  	s0 =	sld [smem:$0x3F9E];
	_ =	swait.ge [sflag:s4], $0x0  }
0x19: {  	s7 =	sld [smem:$0x3F9F]  }
0x1a: {  	s8 =	sadd.s32 $0xFFFFE003, lr  }
0x1b: {  	s9 =	sadd.s32 $0xFFFFFEF7, lr;
	s5 =	simm.s32 $0xFFFFFFFF;
	p2 =	slt.u32 s8, $0xFFFFF086  }
0x1c: {  	p1 =	slt.u32 s9, $0xF7A;
	s5 =	simm.s32 @!p2 $0x0  }
0x1d: {  	s5 =	simm.s32 @p1 $0x1;
	p0 =	seq.s32 s7, s2  }
0x1e: {  	s7 =	smul.u32 @!p0 $0xF7A, s2;
	p2 =	seq.s32 @!p0 s5, $0x0  }
0x1f: {  	s9 =	smul.u32 $0xF7A, s1;
	s8 =	simm.s32 @!p0 $0x1BF5;
	p2 =	por !p2, p0  }
0x20: {  	[sflag:s8] =	ssyncset.s32 @!p0 $0xFFFFF086;
	s6 =	sadd.s32 @!p0 s3, s7;
	s7 =	simm.s32 @!p0 $0x108  }
0x21: {  	s3 =	sadd.s32 s3, s9;
	s6 =	sadd.s32 @!p0 $0x88, s6;
	s7 =	simm.s32 @p2 $0x1082  }
0x22: {  	[simem:s7], [sflag:s8] =	dma.local @!p0 [hbm:s6], $0xF7A  }
0x23: {  	s9 =	sor.u32 $0xD0000000, s2;
	s6 =	simm.s32 $0x108;
	_ =	swait.ge @!p0 [sflag:s8], $0x0  }
0x24: {  	s3 =	sadd.s32 $0x88, s3;
	s6 =	simm.s32 @!p1 $0x1082;
	[sflag:s4] =	ssyncset.s32 $0xFFFFF086  }
0x25: {  	[simem:s6], [sflag:s4] =	dma.local [hbm:s3], $0xF7A  }
0x26: {  	[smem:$0x3F9F] =	sst s1;
	(tag) =	ssettag s2;
	_ =	strace s9  }
0x27: {  	s1 =	sld [smem:$0x3FAF]  }
0x28: {  	s2 =	sld [smem:$0x3FB0]  }
0x29: {  	s4 =	sld [smem:$0x3FB2]  }
0x2a: {  	p0 =	seq.s32 s5, $0x0;
	s5 =	sld [smem:$0x3FB3]  }
0x2b: {  	s6 =	sld [smem:$0x3FB4]  }
0x2c: {  	s7 =	sld [smem:$0x3FB5]  }
0x2d: {  	s3 =	simm.s32 $0x108;
	s8 =	sld [smem:$0x3FB6]  }
0x2e: {  	s3 =	simm.s32 @!p0 $0x1082;
	s9 =	sld [smem:$0x3FB7]  }
0x2f: {  	lr =	sadd.s32 s0, s3;
	s0 =	sld [smem:$0x3FAE]  }
0x30: {  	s3 =	sld [smem:$0x3FB1]  }
0x31: {  	[smem:$0x3FBA] =	sst s10  }
0x32: {  	s10 =	sld [smem:$0x3FB8];
	_ =	sdelay $0x3  }
0x33: {  	p0 =	seq.s32 s10, $0x1;
	s10 =	sld [smem:$0x3FBA];
	_ =	sdelay $0x3  }
0x34: {  	[smem:$0x3FBA] =	sst s10  }
0x35: {  	s10 =	sld [smem:$0x3FB9];
	_ =	sdelay $0x3  }
0x36: {  	p1 =	seq.s32 s10, $0x1;
	s10 =	sld [smem:$0x3FBA];
	_ =	sdelay $0x3  }
0x37: {  	[smem:$0x3FBA] =	sst s10  }
0x38: {  	s10 =	sld [smem:$0x3FBB]  }
0x39: {  	_ = 	snop;
	(pc) =	sbr.ind lr, $3  }
0x3a: {  	_ = 	snop  }
0x3b: {  	_ = 	snop  }
0x3c: {  	p2 =	seq.s32 s10, $0x1;
	s10 =	sld [smem:$0x3FBA]  }
0x3d: {  	_ =	shalt  }
0x3e: {  	_ =	shalt  }
0x3f: {  	_ =	shalt  }
0x40: {  	_ =	shalt  }
0x41: {  	_ =	shalt  }
0x42: {  	_ =	shalt  }
0x43: {  	_ =	shalt  }
0x44: {  	_ =	shalt  }
0x45: {  	_ =	shalt  }
0x46: {  	_ =	shalt  }
0x47: {  	_ =	shalt  }
0x48: {  	_ =	shalt  }
0x49: {  	_ =	shalt  }
0x4a: {  	_ =	shalt  }
0x4b: {  	_ =	shalt  }
0x4c: {  	_ =	shalt  }
0x4d: {  	_ =	shalt  }
0x4e: {  	_ =	shalt  }
0x4f: {  	_ =	shalt  }
0x50: {  	_ =	shalt  }
0x51: {  	_ =	shalt  }
0x52: {  	_ =	shalt  }
0x53: {  	_ =	shalt  }
0x54: {  	_ =	shalt  }
0x55: {  	_ =	shalt  }
0x56: {  	_ =	shalt  }
0x57: {  	_ =	shalt  }
0x58: {  	_ =	shalt  }
0x59: {  	_ =	shalt  }
0x5a: {  	_ =	shalt  }
0x5b: {  	_ =	shalt  }
0x5c: {  	_ =	shalt  }
0x5d: {  	_ =	shalt  }
0x5e: {  	_ =	shalt  }
0x5f: {  	_ =	shalt  }
0x60: {  	_ =	shalt  }
0x61: {  	_ =	shalt  }
0x62: {  	_ =	shalt  }
0x63: {  	_ =	shalt  }
0x64: {  	_ =	shalt  }
0x65: {  	_ =	shalt  }
0x66: {  	_ =	shalt  }
0x67: {  	_ =	shalt  }
0x68: {  	_ =	shalt  }
0x69: {  	_ =	shalt  }
0x6a: {  	_ =	shalt  }
0x6b: {  	_ =	shalt  }
0x6c: {  	_ =	shalt  }
0x6d: {  	_ =	shalt  }
0x6e: {  	_ =	shalt  }
0x6f: {  	_ =	shalt  }
0x70: {  	_ =	shalt  }
0x71: {  	_ =	shalt  }
0x72: {  	_ =	shalt  }
0x73: {  	_ =	shalt  }
0x74: {  	_ =	shalt  }
0x75: {  	_ =	shalt  }
0x76: {  	_ =	shalt  }
0x77: {  	_ =	shalt  }
0x78: {  	_ =	shalt  }
0x79: {  	_ =	shalt  }
0x7a: {  	_ =	shalt  }
0x7b: {  	_ =	shalt  }
0x7c: {  	_ =	shalt  }
0x7d: {  	_ =	shalt  }
0x7e: {  	_ =	shalt  }
0x7f: {  	_ =	shalt  }
0x80: {  	_ =	shalt  }
0x81: {  	_ =	shalt  }
0x82: {  	_ =	shalt  }
0x83: {  	_ =	shalt  }
0x84: {  	_ =	shalt  }
0x85: {  	_ =	shalt  }
0x86: {  	_ =	shalt  }
0x87: {  	_ =	shalt  }
.Lfunc_end0:
.L_simem_size_0:
called_computation_lowered:
.L_overlay_start_0:
0x88: {  	s2 =	sld [smem:$0x3FD9]  }
0x89: {  	s3 =	sld [smem:$0x3FFE];
	_ =	sdelay $0x1  }
0x8a: {  	s1 =	srdreg.scid  }
0x8b: {  	s0 =	sand.u32 $0x1, s1  }
0x8c: {  	s18 =	sshll.u32 s0, $0xA;
	s2 =	sadd.s32 s3, s2  }
0x8d: {  	s2 =	sadd.s32 s2, s18  }
0x8e: {  	[smem:$0x3FC6] =	sst s2  }
0x8f: {  	_ = 	snop  }
0x90: {  	s2 =	sld [smem:$0x3FC9]  }
0x91: {  	s19 =	sld [smem:$0x3FC8]  }
0x92: {  	s4 =	sld [smem:$0x3FD0];
	(tm) =	ssettm $0x1  }
0x93: {  	s5 =	sld [smem:$0x3FFB];
	_ =	sdelay $0x3  }
0x94: {  	_ =	strace s5  }
0x95: {  	s5 =	sld [smem:$0x3FFC];
	_ =	sdelay $0x3  }
0x96: {  	_ =	strace s5  }
0x97: {  	s5 =	sld [smem:$0x3FFD];
	_ =	sdelay $0x3  }
0x98: {  	_ =	strace s5  }
0x99: {  	_ =	strace $0x8FFFFFFF  }
0x9a: {  	s20 =	sld [smem:$0x3FDB];
	_ =	sdelay $0x1  }
0x9b: {  	s6 =	simm.s32 $_scs_section_size  }
0x9c: {  	s7 =	simm.s32 $_size__tile_overlayer_lowered;
	s8 =	simm.s32 $_tile_overlayer_lowered  }
0x9d: {  	s23 =	simm.s32 $0x1BFF;
	s22 =	sshll.u32 s8, $0x1;
	s5 =	sadd.s32 s6, s20  }
0x9e: {  	s9 =	simm.s32 $0x0;
	s21 =	sshll.u32 s7, $0x1;
	s7 =	sadd.s32 s22, s5  }
0x9f: {  	[timem:s9], [sflag:s23] =	dma.local [hbm:s7], s21  }
0xa0: {  	_ =	swait.ge [sflag:s23], s21  }
0xa1: {  	s6 =	ssub.s32 $0x0, s21;
	[sflag:s23] =	ssyncset.done $0x0  }
0xa2: {  	[sflag:s23] =	ssyncadd.s32 s6;
	_ =	sdelay $0x1  }
0xa3: {  	s24 =	simm.s32 $0x1B8B  }
0xa4: {  	_ =	swait.ge [sflag:s24], $0x1  }
0xa5: {  	[sflag:s24] =	ssyncset.done $0x0  }
0xa6: {  	s25 =	simm.s32 $0x1B8E;
	[sflag:s24] =	ssyncadd.s32 $0xFFFFFFFF  }
0xa7: {  	s26 =	simm.s32 $execute0_lowered;
	[smem:$0x3FD2] =	sst s25  }
0xa8: {  	s6 =	sshll.u32 s26, $0x1;
	_ =	strace $0x80000046;
	[dreg:$0x1] =	wrdreg $0xFFFFFFFF  }
0xa9: {  	s28 =	simm.s32 $_size_execute0_lowered;
	s5 =	sadd.s32 s5, s6;
	[dreg:$0x0] =	wrdreg $0x0  }
0xaa: {  	s6 =	sshll.u32 s28, $0x1;
	[dreg:$0x2] =	wrdreg s5  }
0xab: {  	[dreg:$0x3] =	wrdreg s6  }
0xac: {  	[dreg:$0x4] =	wrdreg $0xC0  }
0xad: {  	_ =	task [dreg:s9], $0x5FFFF  }
0xae: {  	[dreg:$0x1] =	wrdreg $0xFFFFFFFF  }
0xaf: {  	[dreg:$0x0] =	wrdreg $0x60  }
0xb0: {  	[dreg:$0x2] =	wrdreg s2  }
0xb1: {  	[dreg:$0x3] =	wrdreg s19  }
0xb2: {  	[dreg:$0x4] =	wrdreg s4  }
0xb3: {  	[dreg:$0x5] =	wrdreg $0x9  }
0xb4: {  	_ =	task.clear_ibuf [dreg:s9], $0x6FFFF;
	_ =	strace $0x90000046  }
0xb5: {  	s29 =	simm.s32 $0x9;
	_ =	strace $0x80000048  }
0xb6: {  	_ =	swait.ge [sflag:s29], $0x1  }
0xb7: {  	[sflag:s29] =	ssyncadd.s32 $0xFFFFFFFF  }
0xb8: {  	_ =	strace $0x90000048  }
0xb9: {  	_ =	sfence  }
0xba: {  	s30 =	sld [smem:$0x0];
	_ =	sdelay $0x2  }
0xbb: {  	s31 =	sshll.u32 s1, $0xD;
	s1 =	sshrl.u32 s1, $0x2  }
0xbc: {  	s3 =	sand.u32 $0x4000, s31;
	s1 =	sadd.s32 s1, s30  }
0xbd: {  	s0 =	sor.u32 s3, s0;
	s1 =	sshll.u32 s1, $0x11  }
0xbe: {  	s0 =	sor.u32 s1, s0  }
0xbf: {  	s0 =	sadd.s32 $0x8F2B, s0  }
0xc0: {  	[sflag:s0] =	ssyncadd.remote.s32 $0x1  }
0xc1: {  	_ =	sfence.sel $0xFFFF  }
0xc2: {  	[dreg:$0x0] =	wrdreg $0xFFFFFFFF;
	(pc) =	sbr.abs _section_cstart, $3  }
0xc3: {  	[dreg:$0x1] =	wrdreg $0xFFFFFFFF  }
0xc4: {  	_ =	task.clear_ibuf [dreg:s9], $0x2FFFF;
	_ =	strace $0x9FFFFFFF  }
0xc5: {  	(tm) =	ssettm $0x7FFFFFFF  }
tec
execute0_lowered:
.L_overlay_start_1:
0x0: {  	(tag) =	ssettag $0x1  }
0x1: {  	s2 =	rddreg [dreg:$0x0]  }
0x2: {  	s0 =	rddreg [dreg:$0x1];
	s3 =	srdreg.scid  }
0x3: {  	s1 =	rddreg [dreg:$0x2];
	s5 =	stileid.u32;
	s4 =	sand.u32 $0x1, s3  }
0x4: {  	s5 =	sshll.u32 s5, $0x1;
	s3 =	simm.s32 $0x0;
	s6 =	ssub.s32 $0x2, s4  }
0x5: {  	s4 =	sor.u32 s4, s5;
	[smem:$0x7FF] =	sst s3;
	s5 =	sadd.s32 $0x20, s2  }
0x6: {  	s8 =	sshll.u32 s4, $0xC;
	s17 =	sshll.u32 s4, $0xA;
	s20 =	sshll.u32 s4, $0xF  }
0x7: {  	_ =	strace $0x80000047;
	s0 =	sadd.s32 s0, s17;
	[dreg:$0x14] =	wrdreg s20  }
0x8: {  	s7 =	sadd.s32 $0x60, s2;
	s12 =	sadd.s32 s8, s5;
	[dreg:$0x11] =	wrdreg s0  }
0x9: {  	s14 =	sadd.s32 s8, s7;
	[dreg:$0x5] =	wrdreg s12  }
0xa: {  	s11 =	sadd.s32 s2, s8;
	[dreg:$0x7] =	wrdreg s14  }
0xb: {  	s10 =	sadd.s32 $0x400, s11;
	[dreg:$0x4] =	wrdreg s11  }
0xc: {  	s22 =	sadd.s32 $0x420, s11;
	[dreg:$0x8] =	wrdreg s10  }
0xd: {  	s23 =	sadd.s32 $0x440, s11;
	[dreg:$0x9] =	wrdreg s22  }
0xe: {  	s24 =	sadd.s32 $0x460, s11;
	[dreg:$0xa] =	wrdreg s23  }
0xf: {  	s25 =	sadd.s32 $0x800, s11;
	[dreg:$0xb] =	wrdreg s24  }
0x10: {  	s26 =	sadd.s32 $0x820, s11;
	[dreg:$0xc] =	wrdreg s25  }
0x11: {  	s15 =	sadd.s32 $0x840, s11;
	[dreg:$0xd] =	wrdreg s26  }
0x12: {  	s16 =	sadd.s32 $0x860, s11;
	[dreg:$0xe] =	wrdreg s15  }
0x13: {  	s21 =	sshrl.u32 s6, $0x1;
	s18 =	sadd.s32 $0xC20, s11;
	[dreg:$0xf] =	wrdreg s16  }
0x14: {  	s9 =	ssub.s32 s6, s21;
	s19 =	sadd.s32 $0xC40, s11;
	[dreg:$0x12] =	wrdreg s18  }
0x15: {  	s21 =	smax.u32 s9, $0x1;
	[dreg:$0x13] =	wrdreg s19  }
0x16: {  	s4 =	sadd.s32 $0x200, s11;
	[dreg:$0x15] =	wrdreg s21  }
0x17: {  	s9 =	sadd.s32 $0x300, s11;
	[dreg:$0x1b] =	wrdreg s4  }
0x18: {  	s6 =	sadd.s32 $0x40, s2;
	s17 =	sadd.s32 $0x180, s12;
	[dreg:$0x1d] =	wrdreg s9  }
0x19: {  	s13 =	sadd.s32 s8, s6;
	[smem:$0x797] =	sst s17  }
0x1a: {  	s15 =	sadd.s32 $0xC00, s11;
	[dreg:$0x6] =	wrdreg s13  }
0x1b: {  	s23 =	sadd.s32 $0xC60, s11;
	[dreg:$0x10] =	wrdreg s15  }
0x1c: {  	s24 =	sor.u32 $0x2000, s20;
	[dreg:$0x16] =	wrdreg s23  }
0x1d: {  	s25 =	sadd.s32 $0x80, s11;
	[dreg:$0x17] =	wrdreg s24  }
0x1e: {  	s26 =	sadd.s32 $0x100, s11;
	[dreg:$0x18] =	wrdreg s25  }
0x1f: {  	s22 =	sadd.s32 s1, s8;
	s1 =	sadd.s32 $0x180, s11;
	[dreg:$0x19] =	wrdreg s26  }
0x20: {  	s8 =	sadd.s32 $0x280, s11;
	[dreg:$0x1a] =	wrdreg s1  }
0x21: {  	s10 =	sadd.s32 $0x380, s11;
	[dreg:$0x1c] =	wrdreg s8  }
0x22: {  	s16 =	sadd.s32 $0x100, s12;
	[dreg:$0x1e] =	wrdreg s10  }
0x23: {  	s18 =	sadd.s32 $0x200, s12;
	[smem:$0x796] =	sst s16  }
0x24: {  	s30 =	sor.u32 $0x4000, s20;
	s19 =	sadd.s32 $0x280, s12;
	[smem:$0x798] =	sst s18  }
0x25: {  	s31 =	sor.u32 $0x6000, s20;
	s20 =	sadd.s32 $0x300, s12;
	[smem:$0x799] =	sst s19  }
0x26: {  	s21 =	sadd.s32 $0x380, s12;
	[smem:$0x79A] =	sst s20  }
0x27: {  	s4 =	sadd.s32 $0x300, s13;
	[smem:$0x79B] =	sst s21  }
0x28: {  	s9 =	sadd.s32 $0x80, s14;
	[smem:$0x7A1] =	sst s4  }
0x29: {  	s17 =	sadd.s32 $0x380, s14;
	[smem:$0x7A3] =	sst s9  }
0x2a: {  	s15 =	sadd.s32 $0x80, s12;
	[smem:$0x7A9] =	sst s17  }
0x2b: {  	s23 =	sadd.s32 $0x80, s13;
	[dreg:$0x1f] =	wrdreg s15  }
0x2c: {  	s24 =	sadd.s32 $0x100, s13;
	[smem:$0x79C] =	sst s23  }
0x2d: {  	s25 =	sadd.s32 $0x180, s13;
	[smem:$0x79D] =	sst s24  }
0x2e: {  	s26 =	sadd.s32 $0x200, s13;
	[smem:$0x79E] =	sst s25  }
0x2f: {  	s1 =	sadd.s32 $0x280, s13;
	[smem:$0x79F] =	sst s26  }
0x30: {  	s8 =	sadd.s32 $0x380, s13;
	[smem:$0x7A0] =	sst s1  }
0x31: {  	s10 =	sadd.s32 $0x100, s14;
	[smem:$0x7A2] =	sst s8  }
0x32: {  	s12 =	sadd.s32 $0x180, s14;
	[smem:$0x7A4] =	sst s10  }
0x33: {  	s13 =	sadd.s32 $0x200, s14;
	[smem:$0x7A5] =	sst s12  }
0x34: {  	s16 =	sadd.s32 $0x300, s14;
	[smem:$0x7A6] =	sst s13  }
0x35: {  	s18 =	sadd.s32 $0x480, s11;
	[smem:$0x7A8] =	sst s16  }
0x36: {  	s19 =	sadd.s32 $0x500, s11;
	[smem:$0x7AA] =	sst s18  }
0x37: {  	s20 =	sadd.s32 $0x580, s11;
	[smem:$0x7AB] =	sst s19  }
0x38: {  	s21 =	sadd.s32 $0x600, s11;
	[smem:$0x7AC] =	sst s20  }
0x39: {  	s4 =	sadd.s32 $0x5A0, s11;
	[smem:$0x7AD] =	sst s21  }
0x3a: {  	s9 =	sadd.s32 $0x6A0, s11;
	[smem:$0x7B3] =	sst s4  }
0x3b: {  	s17 =	sadd.s32 $0x6C0, s11;
	[smem:$0x7B5] =	sst s9  }
0x3c: {  	s15 =	sadd.s32 $0x280, s14;
	[smem:$0x7BC] =	sst s17  }
0x3d: {  	s23 =	sadd.s32 $0x680, s11;
	[smem:$0x7A7] =	sst s15  }
0x3e: {  	s24 =	sadd.s32 $0x700, s11;
	[smem:$0x7AE] =	sst s23  }
0x3f: {  	s25 =	sadd.s32 $0x780, s11;
	[smem:$0x7AF] =	sst s24  }
0x40: {  	s26 =	sadd.s32 $0x4A0, s11;
	[smem:$0x7B0] =	sst s25  }
0x41: {  	s1 =	sadd.s32 $0x520, s11;
	[smem:$0x7B1] =	sst s26  }
0x42: {  	s8 =	sadd.s32 $0x620, s11;
	[smem:$0x7B2] =	sst s1  }
0x43: {  	s10 =	sadd.s32 $0x720, s11;
	[smem:$0x7B4] =	sst s8  }
0x44: {  	s12 =	sadd.s32 $0x7A0, s11;
	[smem:$0x7B6] =	sst s10  }
0x45: {  	s13 =	sadd.s32 $0x4C0, s11;
	[smem:$0x7B7] =	sst s12  }
0x46: {  	s14 =	sadd.s32 $0x540, s11;
	[smem:$0x7B8] =	sst s13  }
0x47: {  	s16 =	sadd.s32 $0x640, s11;
	[smem:$0x7B9] =	sst s14  }
0x48: {  	s18 =	sadd.s32 $0x740, s11;
	[smem:$0x7BB] =	sst s16  }
0x49: {  	s19 =	sadd.s32 $0x7C0, s11;
	[smem:$0x7BD] =	sst s18  }
0x4a: {  	s20 =	sadd.s32 $0x4E0, s11;
	[smem:$0x7BE] =	sst s19  }
0x4b: {  	s21 =	sadd.s32 $0x560, s11;
	[smem:$0x7BF] =	sst s20  }
0x4c: {  	s4 =	sadd.s32 $0x880, s11;
	[smem:$0x7C0] =	sst s21  }
0x4d: {  	s9 =	sadd.s32 $0x980, s11;
	[smem:$0x7C6] =	sst s4  }
0x4e: {  	s17 =	sadd.s32 $0x9A0, s11;
	[smem:$0x7C8] =	sst s9  }
0x4f: {  	s15 =	sadd.s32 $0x5C0, s11;
	[smem:$0x7CF] =	sst s17  }
0x50: {  	s23 =	sadd.s32 $0x5E0, s11;
	[smem:$0x7BA] =	sst s15  }
0x51: {  	s24 =	sadd.s32 $0x660, s11;
	[smem:$0x7C1] =	sst s23  }
0x52: {  	s25 =	sadd.s32 $0x6E0, s11;
	[smem:$0x7C2] =	sst s24  }
0x53: {  	s26 =	sadd.s32 $0x760, s11;
	[smem:$0x7C3] =	sst s25  }
0x54: {  	s1 =	sadd.s32 $0x7E0, s11;
	[smem:$0x7C4] =	sst s26  }
0x55: {  	s8 =	sadd.s32 $0x900, s11;
	[smem:$0x7C5] =	sst s1  }
0x56: {  	s10 =	sadd.s32 $0xA00, s11;
	[smem:$0x7C7] =	sst s8  }
0x57: {  	s12 =	sadd.s32 $0xA80, s11;
	[smem:$0x7C9] =	sst s10  }
0x58: {  	s13 =	sadd.s32 $0xB00, s11;
	[smem:$0x7CA] =	sst s12  }
0x59: {  	s14 =	sadd.s32 $0xB80, s11;
	[smem:$0x7CB] =	sst s13  }
0x5a: {  	s16 =	sadd.s32 $0x920, s11;
	[smem:$0x7CC] =	sst s14  }
0x5b: {  	s18 =	sadd.s32 $0xA20, s11;
	[smem:$0x7CE] =	sst s16  }
0x5c: {  	s19 =	sadd.s32 $0xAA0, s11;
	[smem:$0x7D0] =	sst s18  }
0x5d: {  	s20 =	sadd.s32 $0xB20, s11;
	[smem:$0x7D1] =	sst s19  }
0x5e: {  	s21 =	sadd.s32 $0xBA0, s11;
	[smem:$0x7D2] =	sst s20  }
0x5f: {  	s4 =	sadd.s32 $0xB40, s11;
	[smem:$0x7D3] =	sst s21  }
0x60: {  	s9 =	sadd.s32 $0x8E0, s11;
	[smem:$0x7D9] =	sst s4  }
0x61: {  	s17 =	sadd.s32 $0xC80, s11;
	[smem:$0x7DB] =	sst s9  }
0x62: {  	s15 =	sadd.s32 $0x8A0, s11;
	[smem:$0x7E2] =	sst s17  }
0x63: {  	s23 =	sadd.s32 $0x8C0, s11;
	[smem:$0x7CD] =	sst s15  }
0x64: {  	s24 =	sadd.s32 $0x940, s11;
	[smem:$0x7D4] =	sst s23  }
0x65: {  	s25 =	sadd.s32 $0x9C0, s11;
	[smem:$0x7D5] =	sst s24  }
0x66: {  	s26 =	sadd.s32 $0xA40, s11;
	[smem:$0x7D6] =	sst s25  }
0x67: {  	s1 =	sadd.s32 $0xAC0, s11;
	[smem:$0x7D7] =	sst s26  }
0x68: {  	s8 =	sadd.s32 $0xBC0, s11;
	[smem:$0x7D8] =	sst s1  }
0x69: {  	s10 =	sadd.s32 $0x960, s11;
	[smem:$0x7DA] =	sst s8  }
0x6a: {  	s12 =	sadd.s32 $0x9E0, s11;
	[smem:$0x7DC] =	sst s10  }
0x6b: {  	s13 =	sadd.s32 $0xA60, s11;
	[smem:$0x7DD] =	sst s12  }
0x6c: {  	s14 =	sadd.s32 $0xAE0, s11;
	[smem:$0x7DE] =	sst s13  }
0x6d: {  	s16 =	sadd.s32 $0xBE0, s11;
	[smem:$0x7DF] =	sst s14  }
0x6e: {  	s18 =	sadd.s32 $0xD00, s11;
	[smem:$0x7E1] =	sst s16  }
0x6f: {  	s19 =	sadd.s32 $0xD80, s11;
	[smem:$0x7E3] =	sst s18  }
0x70: {  	s20 =	sadd.s32 $0xE00, s11;
	[smem:$0x7E4] =	sst s19  }
0x71: {  	s21 =	sadd.s32 $0xE80, s11;
	[smem:$0x7E5] =	sst s20  }
0x72: {  	s4 =	sadd.s32 $0xE20, s11;
	[smem:$0x7E6] =	sst s21  }
0x73: {  	s9 =	sadd.s32 $0xF20, s11;
	[smem:$0x7EC] =	sst s4  }
0x74: {  	s17 =	sadd.s32 $0xF40, s11;
	[smem:$0x7EE] =	sst s9  }
0x75: {  	s15 =	sadd.s32 $0xB60, s11;
	[smem:$0x7F5] =	sst s17  }
0x76: {  	s23 =	sadd.s32 $0xF00, s11;
	[smem:$0x7E0] =	sst s15  }
0x77: {  	s24 =	sadd.s32 $0xF80, s11;
	[smem:$0x7E7] =	sst s23  }
0x78: {  	s25 =	sadd.s32 $0xCA0, s11;
	[smem:$0x7E8] =	sst s24  }
0x79: {  	s26 =	sadd.s32 $0xD20, s11;
	[smem:$0x7E9] =	sst s25  }
0x7a: {  	s1 =	sadd.s32 $0xDA0, s11;
	[smem:$0x7EA] =	sst s26  }
0x7b: {  	s8 =	sadd.s32 $0xEA0, s11;
	[smem:$0x7EB] =	sst s1  }
0x7c: {  	s10 =	sadd.s32 $0xFA0, s11;
	[smem:$0x7ED] =	sst s8  }
0x7d: {  	s12 =	sadd.s32 $0xCC0, s11;
	[smem:$0x7EF] =	sst s10  }
0x7e: {  	s13 =	sadd.s32 $0xD40, s11;
	[smem:$0x7F0] =	sst s12  }
0x7f: {  	s14 =	sadd.s32 $0xDC0, s11;
	[smem:$0x7F1] =	sst s13  }
0x80: {  	s16 =	sadd.s32 $0xEC0, s11;
	[smem:$0x7F2] =	sst s14  }
0x81: {  	s28 =	simm.s32 $0x1;
	s18 =	sadd.s32 $0xFC0, s11;
	[smem:$0x7F4] =	sst s16  }
0x82: {  	s29 =	sadd.s32 $0x800, s22;
	s19 =	sadd.s32 $0xCE0, s11;
	[smem:$0x7F6] =	sst s18  }
0x83: {  	s20 =	sadd.s32 $0xD60, s11;
	s21 =	sadd.s32 $0xDE0, s11;
	[smem:$0x7F7] =	sst s19  }
0x84: {  	s4 =	simm.s32 $0x0;
	s15 =	sadd.s32 $0xE40, s11;
	[smem:$0x7F8] =	sst s20  }
0x85: {  	[smem:$0x7F9] =	sst s21;
	s23 =	sadd.s32 $0xE60, s11;
	s24 =	sadd.s32 $0xEE0, s11  }
.Ltmp0:
0x86: {  	s25 =	sadd.s32 $0xF60, s11;
	[smem:$0x7F3] =	sst s15;
	(pc) =	sbr.rel .LBB2_1-.Ltmp0, $4  }
0x87: {  	v0 =	vlaneseq.u32;
	s26 =	sadd.s32 $0xFE0, s11;
	s1 =	simm.s32 $0x9780;
	[smem:$0x7FA] =	sst s23  }
0x88: {  	v2 =	vimm.s32 $0x0;
	vm0 =	vcmask $0x300;
	v0 =	vmul.u32 $0x2, v0;
	s11 =	simm.s32 $0x9B80;
	s12 =	simm.s32 $0x9F80;
	[smem:$0x7FB] =	sst s24  }
0x89: {  	v1 =	vimm.f32 $0.0e+00;
	v2 =	vsel vm0, $0x7, v2;
	s13 =	simm.s32 $0x4;
	s14 =	simm.s32 $0x2;
	[smem:$0x7FC] =	sst s25  }
0x8a: {  	v3 =	vor.u32 $0x20, v0;
	v4 =	vor.u32 $0x40, v0;
	v5 =	vor.u32 $0x60, v0;
	[smem:$0x7FD] =	sst s26;
	s24 =	simm.s32 $0xA000;
	s15 =	simm.s32 $0xE000  }
.LBB2_17:
0x8b: {  	s0 =	simm.s32 $0x3  }
0x8c: {  	_ =	swait.ge [sflag:s0], $0x4000  }
0x8d: {  	[sflag:s0] =	ssyncset.done $0x0  }
0x8e: {  	[sflag:s0] =	ssyncadd.s32 $0xFFFFC000  }
0x8f: {  	_ =	swait.ge [sflag:s13], $0x4000  }
0x90: {  	s4 =	sld [smem:$0x795];
	_ =	sdelay $0x2  }
0x91: {  	s26 =	rddreg [dreg:$0x15];
	s4 =	sadd.s32 $0x1, s4  }
0x92: {  	p0 =	sne.s32 s4, s26  }
.Ltmp1:
0x93: {  	_ = 	snop;
	(pc) =	sbr.rel @!p0 .LBB2_18-.Ltmp1, $3  }
0x94: {  	_ =	sdelay $0x1  }
0x95: {  	[sflag:s13] =	ssyncset.done $0x0  }
0x96: {  	[sflag:s13] =	ssyncadd.s32 $0xFFFFC000  }
.LBB2_1:
0x97: {  	s0 =	rddreg [dreg:$0x4]  }
0x98: {  	s23 =	simm.s32 $0x6000;
	s25 =	rddreg [dreg:$0x18]  }
0x99: {  	[tilespmem:s23], [sflag:$0x1] =	stream.linear.gather [hbm4b:s0+s3], $0x80, $0x38;
	[tilespmem:$0x12000] =	vst v63  }
0x9a: {  	s26 =	simm.s32 $0x6400;
	s8 =	rddreg [dreg:$0x19]  }
0x9b: {  	[tilespmem:s26], [sflag:$0x1] =	stream.linear.gather [hbm4b:s25+s3], $0x80, $0x38;
	[tilespmem:$0x12000] =	vst v63  }
0x9c: {  	s9 =	simm.s32 $0x6800;
	s10 =	rddreg [dreg:$0x1a]  }
0x9d: {  	[tilespmem:s9], [sflag:$0x1] =	stream.linear.gather [hbm4b:s8+s3], $0x80, $0x38;
	[tilespmem:$0x12000] =	vst v63  }
0x9e: {  	s16 =	simm.s32 $0x6C00;
	s17 =	rddreg [dreg:$0x1b]  }
0x9f: {  	[tilespmem:s16], [sflag:$0x1] =	stream.linear.gather [hbm4b:s10+s3], $0x80, $0x38;
	[tilespmem:$0x12000] =	vst v63  }
0xa0: {  	s18 =	simm.s32 $0x7000;
	s19 =	rddreg [dreg:$0x1c]  }
0xa1: {  	[tilespmem:s18], [sflag:$0x1] =	stream.linear.gather [hbm4b:s17+s3], $0x80, $0x38;
	[tilespmem:$0x12000] =	vst v63  }
0xa2: {  	s20 =	simm.s32 $0x7400;
	s21 =	rddreg [dreg:$0x1d]  }
0xa3: {  	[tilespmem:s20], [sflag:$0x1] =	stream.linear.gather [hbm4b:s19+s3], $0x80, $0x38;
	[tilespmem:$0x12000] =	vst v63  }
0xa4: {  	s23 =	simm.s32 $0x7800;
	s25 =	rddreg [dreg:$0x1e]  }
0xa5: {  	[tilespmem:s23], [sflag:$0x1] =	stream.linear.gather [hbm4b:s21+s3], $0x80, $0x38;
	[tilespmem:$0x12000] =	vst v63  }
0xa6: {  	s26 =	simm.s32 $0x7C00;
	s8 =	rddreg [dreg:$0x5]  }
0xa7: {  	[tilespmem:s26], [sflag:$0x1] =	stream.linear.gather [hbm4b:s25+s3], $0x80, $0x38;
	[tilespmem:$0x12000] =	vst v63  }
0xa8: {  	s9 =	simm.s32 $0x6080;
	s10 =	rddreg [dreg:$0x1f]  }
0xa9: {  	[tilespmem:s9], [sflag:$0x1] =	stream.linear.gather [hbm4b:s8+s3], $0x80, $0x38;
	[tilespmem:$0x12000] =	vst v63  }
0xaa: {  	s16 =	simm.s32 $0x6480;
	s17 =	sld [smem:$0x796]  }
0xab: {  	[tilespmem:s16], [sflag:$0x1] =	stream.linear.gather [hbm4b:s10+s3], $0x80, $0x38;
	[tilespmem:$0x12000] =	vst v63  }
0xac: {  	s18 =	simm.s32 $0x6880;
	s19 =	sld [smem:$0x797]  }
0xad: {  	[tilespmem:s18], [sflag:$0x1] =	stream.linear.gather [hbm4b:s17+s3], $0x80, $0x38;
	[tilespmem:$0x12000] =	vst v63  }
0xae: {  	s20 =	simm.s32 $0x6C80;
	s21 =	sld [smem:$0x798]  }
0xaf: {  	[tilespmem:s20], [sflag:$0x1] =	stream.linear.gather [hbm4b:s19+s3], $0x80, $0x38;
	[tilespmem:$0x12000] =	vst v63  }
0xb0: {  	s23 =	simm.s32 $0x7080;
	s25 =	sld [smem:$0x799]  }
0xb1: {  	[tilespmem:s23], [sflag:$0x1] =	stream.linear.gather [hbm4b:s21+s3], $0x80, $0x38;
	[tilespmem:$0x12000] =	vst v63  }
0xb2: {  	s26 =	simm.s32 $0x7480;
	s8 =	sld [smem:$0x79A]  }
0xb3: {  	[tilespmem:s26], [sflag:$0x1] =	stream.linear.gather [hbm4b:s25+s3], $0x80, $0x38;
	[tilespmem:$0x12000] =	vst v63  }
0xb4: {  	s9 =	simm.s32 $0x7880;
	s10 =	sld [smem:$0x79B]  }
0xb5: {  	[tilespmem:s9], [sflag:$0x1] =	stream.linear.gather [hbm4b:s8+s3], $0x80, $0x38;
	[tilespmem:$0x12000] =	vst v63  }
0xb6: {  	s16 =	simm.s32 $0x7C80;
	s17 =	rddreg [dreg:$0x6]  }
0xb7: {  	[tilespmem:s16], [sflag:$0x1] =	stream.linear.gather [hbm4b:s10+s3], $0x80, $0x38;
	[tilespmem:$0x12000] =	vst v63  }
0xb8: {  	s18 =	simm.s32 $0x6100;
	s19 =	sld [smem:$0x79C]  }
0xb9: {  	[tilespmem:s18], [sflag:$0x1] =	stream.linear.gather [hbm4b:s17+s3], $0x80, $0x38;
	[tilespmem:$0x12000] =	vst v63  }
0xba: {  	s20 =	simm.s32 $0x6500;
	s21 =	sld [smem:$0x79D]  }
0xbb: {  	[tilespmem:s20], [sflag:$0x1] =	stream.linear.gather [hbm4b:s19+s3], $0x80, $0x38;
	[tilespmem:$0x12000] =	vst v63  }
0xbc: {  	s23 =	simm.s32 $0x6900;
	s25 =	sld [smem:$0x79E]  }
0xbd: {  	[tilespmem:s23], [sflag:$0x1] =	stream.linear.gather [hbm4b:s21+s3], $0x80, $0x38;
	[tilespmem:$0x12000] =	vst v63  }
0xbe: {  	s26 =	simm.s32 $0x6D00;
	s8 =	sld [smem:$0x79F]  }
0xbf: {  	[tilespmem:s26], [sflag:$0x1] =	stream.linear.gather [hbm4b:s25+s3], $0x80, $0x38;
	[tilespmem:$0x12000] =	vst v63  }
0xc0: {  	s9 =	simm.s32 $0x7100;
	s10 =	sld [smem:$0x7A0]  }
0xc1: {  	[tilespmem:s9], [sflag:$0x1] =	stream.linear.gather [hbm4b:s8+s3], $0x80, $0x38;
	[tilespmem:$0x12000] =	vst v63  }
0xc2: {  	s16 =	simm.s32 $0x7500;
	s17 =	sld [smem:$0x7A1]  }
0xc3: {  	[tilespmem:s16], [sflag:$0x1] =	stream.linear.gather [hbm4b:s10+s3], $0x80, $0x38;
	[tilespmem:$0x12000] =	vst v63  }
0xc4: {  	s18 =	simm.s32 $0x7900;
	s19 =	sld [smem:$0x7A2]  }
0xc5: {  	[tilespmem:s18], [sflag:$0x1] =	stream.linear.gather [hbm4b:s17+s3], $0x80, $0x38;
	[tilespmem:$0x12000] =	vst v63  }
0xc6: {  	s20 =	simm.s32 $0x7D00;
	s21 =	rddreg [dreg:$0x7]  }
0xc7: {  	[tilespmem:s20], [sflag:$0x1] =	stream.linear.gather [hbm4b:s19+s3], $0x80, $0x38;
	[tilespmem:$0x12000] =	vst v63  }
0xc8: {  	s23 =	simm.s32 $0x6180;
	s25 =	sld [smem:$0x7A3]  }
0xc9: {  	[tilespmem:s23], [sflag:$0x1] =	stream.linear.gather [hbm4b:s21+s3], $0x80, $0x38;
	[tilespmem:$0x12000] =	vst v63  }
0xca: {  	s26 =	simm.s32 $0x6580;
	s8 =	sld [smem:$0x7A4]  }
0xcb: {  	[tilespmem:s26], [sflag:$0x1] =	stream.linear.gather [hbm4b:s25+s3], $0x80, $0x38;
	[tilespmem:$0x12000] =	vst v63  }
0xcc: {  	s9 =	simm.s32 $0x6980;
	s10 =	sld [smem:$0x7A5]  }
0xcd: {  	[tilespmem:s9], [sflag:$0x1] =	stream.linear.gather [hbm4b:s8+s3], $0x80, $0x38;
	[tilespmem:$0x12000] =	vst v63  }
0xce: {  	s16 =	simm.s32 $0x6D80;
	s17 =	sld [smem:$0x7A6]  }
0xcf: {  	[tilespmem:s16], [sflag:$0x1] =	stream.linear.gather [hbm4b:s10+s3], $0x80, $0x38;
	[tilespmem:$0x12000] =	vst v63  }
0xd0: {  	s18 =	simm.s32 $0x7180;
	s19 =	sld [smem:$0x7A7]  }
0xd1: {  	[tilespmem:s18], [sflag:$0x1] =	stream.linear.gather [hbm4b:s17+s3], $0x80, $0x38;
	[tilespmem:$0x12000] =	vst v63  }
0xd2: {  	s20 =	simm.s32 $0x7580;
	s21 =	sld [smem:$0x7A8]  }
0xd3: {  	[tilespmem:s20], [sflag:$0x1] =	stream.linear.gather [hbm4b:s19+s3], $0x80, $0x38;
	[tilespmem:$0x12000] =	vst v63  }
0xd4: {  	s23 =	simm.s32 $0x7980;
	s25 =	sld [smem:$0x7A9]  }
0xd5: {  	[tilespmem:s23], [sflag:$0x1] =	stream.linear.gather [hbm4b:s21+s3], $0x80, $0x38;
	[tilespmem:$0x12000] =	vst v63  }
0xd6: {  	s26 =	simm.s32 $0x7D80;
	s8 =	rddreg [dreg:$0x8]  }
0xd7: {  	[tilespmem:s26], [sflag:$0x1] =	stream.linear.gather [hbm4b:s25+s3], $0x80, $0x38;
	[tilespmem:$0x12000] =	vst v63  }
0xd8: {  	s9 =	simm.s32 $0x6200;
	s10 =	sld [smem:$0x7AA]  }
0xd9: {  	[tilespmem:s9], [sflag:$0x1] =	stream.linear.gather [hbm4b:s8+s3], $0x80, $0x38;
	[tilespmem:$0x12000] =	vst v63  }
0xda: {  	s16 =	simm.s32 $0x6600;
	s17 =	sld [smem:$0x7AB]  }
0xdb: {  	[tilespmem:s16], [sflag:$0x1] =	stream.linear.gather [hbm4b:s10+s3], $0x80, $0x38;
	[tilespmem:$0x12000] =	vst v63  }
0xdc: {  	s18 =	simm.s32 $0x6A00;
	s19 =	sld [smem:$0x7AC]  }
0xdd: {  	[tilespmem:s18], [sflag:$0x1] =	stream.linear.gather [hbm4b:s17+s3], $0x80, $0x38;
	[tilespmem:$0x12000] =	vst v63  }
0xde: {  	s20 =	simm.s32 $0x6E00;
	s21 =	sld [smem:$0x7AD]  }
0xdf: {  	[tilespmem:s20], [sflag:$0x1] =	stream.linear.gather [hbm4b:s19+s3], $0x80, $0x38;
	[tilespmem:$0x12000] =	vst v63  }
0xe0: {  	s23 =	simm.s32 $0x7200;
	s25 =	sld [smem:$0x7AE]  }
0xe1: {  	[tilespmem:s23], [sflag:$0x1] =	stream.linear.gather [hbm4b:s21+s3], $0x80, $0x38;
	[tilespmem:$0x12000] =	vst v63  }
0xe2: {  	s26 =	simm.s32 $0x7600;
	s8 =	sld [smem:$0x7AF]  }
0xe3: {  	[tilespmem:s26], [sflag:$0x1] =	stream.linear.gather [hbm4b:s25+s3], $0x80, $0x38;
	[tilespmem:$0x12000] =	vst v63  }
0xe4: {  	s9 =	simm.s32 $0x7A00;
	s10 =	sld [smem:$0x7B0]  }
0xe5: {  	[tilespmem:s9], [sflag:$0x1] =	stream.linear.gather [hbm4b:s8+s3], $0x80, $0x38;
	[tilespmem:$0x12000] =	vst v63  }
0xe6: {  	s16 =	simm.s32 $0x7E00;
	s17 =	rddreg [dreg:$0x9]  }
0xe7: {  	[tilespmem:s16], [sflag:$0x1] =	stream.linear.gather [hbm4b:s10+s3], $0x80, $0x38;
	[tilespmem:$0x12000] =	vst v63  }
0xe8: {  	s18 =	simm.s32 $0x6280;
	s19 =	sld [smem:$0x7B1]  }
0xe9: {  	[tilespmem:s18], [sflag:$0x1] =	stream.linear.gather [hbm4b:s17+s3], $0x80, $0x38;
	[tilespmem:$0x12000] =	vst v63  }
0xea: {  	s20 =	simm.s32 $0x6680;
	s21 =	sld [smem:$0x7B2]  }
0xeb: {  	[tilespmem:s20], [sflag:$0x1] =	stream.linear.gather [hbm4b:s19+s3], $0x80, $0x38;
	[tilespmem:$0x12000] =	vst v63  }
0xec: {  	s23 =	simm.s32 $0x6A80;
	s25 =	sld [smem:$0x7B3]  }
0xed: {  	[tilespmem:s23], [sflag:$0x1] =	stream.linear.gather [hbm4b:s21+s3], $0x80, $0x38;
	[tilespmem:$0x12000] =	vst v63  }
0xee: {  	s26 =	simm.s32 $0x6E80;
	s8 =	sld [smem:$0x7B4]  }
0xef: {  	[tilespmem:s26], [sflag:$0x1] =	stream.linear.gather [hbm4b:s25+s3], $0x80, $0x38;
	[tilespmem:$0x12000] =	vst v63  }
0xf0: {  	s9 =	simm.s32 $0x7280;
	s10 =	sld [smem:$0x7B5]  }
0xf1: {  	[tilespmem:s9], [sflag:$0x1] =	stream.linear.gather [hbm4b:s8+s3], $0x80, $0x38;
	[tilespmem:$0x12000] =	vst v63  }
0xf2: {  	s16 =	simm.s32 $0x7680;
	s17 =	sld [smem:$0x7B6]  }
0xf3: {  	[tilespmem:s16], [sflag:$0x1] =	stream.linear.gather [hbm4b:s10+s3], $0x80, $0x38;
	[tilespmem:$0x12000] =	vst v63  }
0xf4: {  	s18 =	simm.s32 $0x7A80;
	s19 =	sld [smem:$0x7B7]  }
0xf5: {  	[tilespmem:s18], [sflag:$0x1] =	stream.linear.gather [hbm4b:s17+s3], $0x80, $0x38;
	[tilespmem:$0x12000] =	vst v63  }
0xf6: {  	s20 =	simm.s32 $0x7E80;
	s21 =	rddreg [dreg:$0xa]  }
0xf7: {  	[tilespmem:s20], [sflag:$0x1] =	stream.linear.gather [hbm4b:s19+s3], $0x80, $0x38;
	[tilespmem:$0x12000] =	vst v63  }
0xf8: {  	s23 =	simm.s32 $0x6300;
	s25 =	sld [smem:$0x7B8]  }
0xf9: {  	[tilespmem:s23], [sflag:$0x1] =	stream.linear.gather [hbm4b:s21+s3], $0x80, $0x38;
	[tilespmem:$0x12000] =	vst v63  }
0xfa: {  	s26 =	simm.s32 $0x6700;
	s8 =	sld [smem:$0x7B9]  }
0xfb: {  	[tilespmem:s26], [sflag:$0x1] =	stream.linear.gather [hbm4b:s25+s3], $0x80, $0x38;
	[tilespmem:$0x12000] =	vst v63  }
0xfc: {  	s9 =	simm.s32 $0x6B00;
	s10 =	sld [smem:$0x7BA]  }
0xfd: {  	[tilespmem:s9], [sflag:$0x1] =	stream.linear.gather [hbm4b:s8+s3], $0x80, $0x38;
	[tilespmem:$0x12000] =	vst v63  }
0xfe: {  	s16 =	simm.s32 $0x6F00;
	s17 =	sld [smem:$0x7BB]  }
0xff: {  	[tilespmem:s16], [sflag:$0x1] =	stream.linear.gather [hbm4b:s10+s3], $0x80, $0x38;
	[tilespmem:$0x12000] =	vst v63  }
0x100: {  	s18 =	simm.s32 $0x7300;
	s19 =	sld [smem:$0x7BC]  }
0x101: {  	[tilespmem:s18], [sflag:$0x1] =	stream.linear.gather [hbm4b:s17+s3], $0x80, $0x38;
	[tilespmem:$0x12000] =	vst v63  }
0x102: {  	s20 =	simm.s32 $0x7700;
	s21 =	sld [smem:$0x7BD]  }
0x103: {  	[tilespmem:s20], [sflag:$0x1] =	stream.linear.gather [hbm4b:s19+s3], $0x80, $0x38;
	[tilespmem:$0x12000] =	vst v63  }
0x104: {  	s23 =	simm.s32 $0x7B00;
	s25 =	sld [smem:$0x7BE]  }
0x105: {  	[tilespmem:s23], [sflag:$0x1] =	stream.linear.gather [hbm4b:s21+s3], $0x80, $0x38;
	[tilespmem:$0x12000] =	vst v63  }
0x106: {  	s26 =	simm.s32 $0x7F00;
	s8 =	rddreg [dreg:$0xb]  }
0x107: {  	[tilespmem:s26], [sflag:$0x1] =	stream.linear.gather [hbm4b:s25+s3], $0x80, $0x38;
	[tilespmem:$0x12000] =	vst v63  }
0x108: {  	s9 =	simm.s32 $0x6380;
	s10 =	sld [smem:$0x7BF]  }
0x109: {  	[tilespmem:s9], [sflag:$0x1] =	stream.linear.gather [hbm4b:s8+s3], $0x80, $0x38;
	[tilespmem:$0x12000] =	vst v63  }
0x10a: {  	s16 =	simm.s32 $0x6780;
	s17 =	sld [smem:$0x7C0]  }
0x10b: {  	[tilespmem:s16], [sflag:$0x1] =	stream.linear.gather [hbm4b:s10+s3], $0x80, $0x38;
	[tilespmem:$0x12000] =	vst v63  }
0x10c: {  	s18 =	simm.s32 $0x6B80;
	s19 =	sld [smem:$0x7C1]  }
0x10d: {  	[tilespmem:s18], [sflag:$0x1] =	stream.linear.gather [hbm4b:s17+s3], $0x80, $0x38;
	[tilespmem:$0x12000] =	vst v63  }
0x10e: {  	s20 =	simm.s32 $0x6F80;
	s21 =	sld [smem:$0x7C2]  }
0x10f: {  	[tilespmem:s20], [sflag:$0x1] =	stream.linear.gather [hbm4b:s19+s3], $0x80, $0x38;
	[tilespmem:$0x12000] =	vst v63  }
0x110: {  	s23 =	simm.s32 $0x7380;
	s25 =	sld [smem:$0x7C3]  }
0x111: {  	[tilespmem:s23], [sflag:$0x1] =	stream.linear.gather [hbm4b:s21+s3], $0x80, $0x38;
	[tilespmem:$0x12000] =	vst v63  }
0x112: {  	s26 =	simm.s32 $0x7780;
	s8 =	sld [smem:$0x7C4]  }
0x113: {  	[tilespmem:s26], [sflag:$0x1] =	stream.linear.gather [hbm4b:s25+s3], $0x80, $0x38;
	[tilespmem:$0x12000] =	vst v63  }
0x114: {  	s9 =	simm.s32 $0x7B80;
	s10 =	sld [smem:$0x7C5]  }
0x115: {  	[tilespmem:s9], [sflag:$0x1] =	stream.linear.gather [hbm4b:s8+s3], $0x80, $0x38;
	[tilespmem:$0x12000] =	vst v63  }
0x116: {  	s16 =	simm.s32 $0x7F80;
	s17 =	rddreg [dreg:$0xc]  }
0x117: {  	[tilespmem:s16], [sflag:$0x1] =	stream.linear.gather [hbm4b:s10+s3], $0x80, $0x38;
	[tilespmem:$0x12000] =	vst v63  }
0x118: {  	s18 =	simm.s32 $0x8000;
	s19 =	sld [smem:$0x7C6]  }
0x119: {  	[tilespmem:s18], [sflag:$0x2] =	stream.linear.gather [hbm4b:s17+s3], $0x80, $0x38;
	[tilespmem:$0x12000] =	vst v63  }
0x11a: {  	s20 =	simm.s32 $0x8400;
	s21 =	sld [smem:$0x7C7]  }
0x11b: {  	[tilespmem:s20], [sflag:$0x2] =	stream.linear.gather [hbm4b:s19+s3], $0x80, $0x38;
	[tilespmem:$0x12000] =	vst v63  }
0x11c: {  	s23 =	simm.s32 $0x8800;
	s25 =	sld [smem:$0x7C8]  }
0x11d: {  	[tilespmem:s23], [sflag:$0x2] =	stream.linear.gather [hbm4b:s21+s3], $0x80, $0x38;
	[tilespmem:$0x12000] =	vst v63  }
0x11e: {  	s26 =	simm.s32 $0x8C00;
	s8 =	sld [smem:$0x7C9]  }
0x11f: {  	[tilespmem:s26], [sflag:$0x2] =	stream.linear.gather [hbm4b:s25+s3], $0x80, $0x38;
	[tilespmem:$0x12000] =	vst v63  }
0x120: {  	s9 =	simm.s32 $0x9000;
	s10 =	sld [smem:$0x7CA]  }
0x121: {  	[tilespmem:s9], [sflag:$0x2] =	stream.linear.gather [hbm4b:s8+s3], $0x80, $0x38;
	[tilespmem:$0x12000] =	vst v63  }
0x122: {  	s16 =	simm.s32 $0x9400;
	s17 =	sld [smem:$0x7CB]  }
0x123: {  	[tilespmem:s16], [sflag:$0x2] =	stream.linear.gather [hbm4b:s10+s3], $0x80, $0x38;
	[tilespmem:$0x12000] =	vst v63  }
0x124: {  	s18 =	simm.s32 $0x9800;
	s19 =	sld [smem:$0x7CC]  }
0x125: {  	[tilespmem:s18], [sflag:$0x2] =	stream.linear.gather [hbm4b:s17+s3], $0x80, $0x38;
	[tilespmem:$0x12000] =	vst v63  }
0x126: {  	s20 =	simm.s32 $0x9C00;
	s21 =	rddreg [dreg:$0xd]  }
0x127: {  	[tilespmem:s20], [sflag:$0x2] =	stream.linear.gather [hbm4b:s19+s3], $0x80, $0x38;
	[tilespmem:$0x12000] =	vst v63  }
0x128: {  	s23 =	simm.s32 $0x8080;
	s25 =	sld [smem:$0x7CD]  }
0x129: {  	[tilespmem:s23], [sflag:$0x2] =	stream.linear.gather [hbm4b:s21+s3], $0x80, $0x38;
	[tilespmem:$0x12000] =	vst v63  }
0x12a: {  	s26 =	simm.s32 $0x8480;
	s8 =	sld [smem:$0x7CE]  }
0x12b: {  	[tilespmem:s26], [sflag:$0x2] =	stream.linear.gather [hbm4b:s25+s3], $0x80, $0x38;
	[tilespmem:$0x12000] =	vst v63  }
0x12c: {  	s9 =	simm.s32 $0x8880;
	s10 =	sld [smem:$0x7CF]  }
0x12d: {  	[tilespmem:s9], [sflag:$0x2] =	stream.linear.gather [hbm4b:s8+s3], $0x80, $0x38;
	[tilespmem:$0x12000] =	vst v63  }
0x12e: {  	s16 =	simm.s32 $0x8C80;
	s17 =	sld [smem:$0x7D0]  }
0x12f: {  	[tilespmem:s16], [sflag:$0x2] =	stream.linear.gather [hbm4b:s10+s3], $0x80, $0x38;
	[tilespmem:$0x12000] =	vst v63  }
0x130: {  	s18 =	simm.s32 $0x9080;
	s19 =	sld [smem:$0x7D1]  }
0x131: {  	[tilespmem:s18], [sflag:$0x2] =	stream.linear.gather [hbm4b:s17+s3], $0x80, $0x38;
	[tilespmem:$0x12000] =	vst v63  }
0x132: {  	s20 =	simm.s32 $0x9480;
	s21 =	sld [smem:$0x7D2]  }
0x133: {  	[tilespmem:s20], [sflag:$0x2] =	stream.linear.gather [hbm4b:s19+s3], $0x80, $0x38;
	[tilespmem:$0x12000] =	vst v63  }
0x134: {  	s23 =	simm.s32 $0x9880;
	s25 =	sld [smem:$0x7D3]  }
0x135: {  	[tilespmem:s23], [sflag:$0x2] =	stream.linear.gather [hbm4b:s21+s3], $0x80, $0x38;
	[tilespmem:$0x12000] =	vst v63  }
0x136: {  	s26 =	simm.s32 $0x9C80;
	s8 =	rddreg [dreg:$0xe]  }
0x137: {  	[tilespmem:s26], [sflag:$0x2] =	stream.linear.gather [hbm4b:s25+s3], $0x80, $0x38;
	[tilespmem:$0x12000] =	vst v63  }
0x138: {  	s9 =	simm.s32 $0x8100;
	s10 =	sld [smem:$0x7D4]  }
0x139: {  	[tilespmem:s9], [sflag:$0x2] =	stream.linear.gather [hbm4b:s8+s3], $0x80, $0x38;
	[tilespmem:$0x12000] =	vst v63  }
0x13a: {  	s16 =	simm.s32 $0x8500;
	s17 =	sld [smem:$0x7D5]  }
0x13b: {  	[tilespmem:s16], [sflag:$0x2] =	stream.linear.gather [hbm4b:s10+s3], $0x80, $0x38;
	[tilespmem:$0x12000] =	vst v63  }
0x13c: {  	s18 =	simm.s32 $0x8900;
	s19 =	sld [smem:$0x7D6]  }
0x13d: {  	[tilespmem:s18], [sflag:$0x2] =	stream.linear.gather [hbm4b:s17+s3], $0x80, $0x38;
	[tilespmem:$0x12000] =	vst v63  }
0x13e: {  	s20 =	simm.s32 $0x8D00;
	s21 =	sld [smem:$0x7D7]  }
0x13f: {  	[tilespmem:s20], [sflag:$0x2] =	stream.linear.gather [hbm4b:s19+s3], $0x80, $0x38;
	[tilespmem:$0x12000] =	vst v63  }
0x140: {  	s23 =	simm.s32 $0x9100;
	s25 =	sld [smem:$0x7D8]  }
0x141: {  	[tilespmem:s23], [sflag:$0x2] =	stream.linear.gather [hbm4b:s21+s3], $0x80, $0x38;
	[tilespmem:$0x12000] =	vst v63  }
0x142: {  	s26 =	simm.s32 $0x9500;
	s8 =	sld [smem:$0x7D9]  }
0x143: {  	[tilespmem:s26], [sflag:$0x2] =	stream.linear.gather [hbm4b:s25+s3], $0x80, $0x38;
	[tilespmem:$0x12000] =	vst v63  }
0x144: {  	s9 =	simm.s32 $0x9900;
	s10 =	sld [smem:$0x7DA]  }
0x145: {  	[tilespmem:s9], [sflag:$0x2] =	stream.linear.gather [hbm4b:s8+s3], $0x80, $0x38;
	[tilespmem:$0x12000] =	vst v63  }
0x146: {  	s16 =	simm.s32 $0x9D00;
	s17 =	rddreg [dreg:$0xf]  }
0x147: {  	[tilespmem:s16], [sflag:$0x2] =	stream.linear.gather [hbm4b:s10+s3], $0x80, $0x38;
	[tilespmem:$0x12000] =	vst v63  }
0x148: {  	s18 =	simm.s32 $0x8180;
	s19 =	sld [smem:$0x7DB]  }
0x149: {  	[tilespmem:s18], [sflag:$0x2] =	stream.linear.gather [hbm4b:s17+s3], $0x80, $0x38;
	[tilespmem:$0x12000] =	vst v63  }
0x14a: {  	s20 =	simm.s32 $0x8580;
	s21 =	sld [smem:$0x7DC]  }
0x14b: {  	[tilespmem:s20], [sflag:$0x2] =	stream.linear.gather [hbm4b:s19+s3], $0x80, $0x38;
	[tilespmem:$0x12000] =	vst v63  }
0x14c: {  	s23 =	simm.s32 $0x8980;
	s25 =	sld [smem:$0x7DD]  }
0x14d: {  	[tilespmem:s23], [sflag:$0x2] =	stream.linear.gather [hbm4b:s21+s3], $0x80, $0x38;
	[tilespmem:$0x12000] =	vst v63  }
0x14e: {  	s26 =	simm.s32 $0x8D80;
	s8 =	sld [smem:$0x7DE]  }
0x14f: {  	[tilespmem:s26], [sflag:$0x2] =	stream.linear.gather [hbm4b:s25+s3], $0x80, $0x38;
	[tilespmem:$0x12000] =	vst v63  }
0x150: {  	s9 =	simm.s32 $0x9180;
	s10 =	sld [smem:$0x7DF]  }
0x151: {  	[tilespmem:s9], [sflag:$0x2] =	stream.linear.gather [hbm4b:s8+s3], $0x80, $0x38;
	[tilespmem:$0x12000] =	vst v63  }
0x152: {  	s16 =	simm.s32 $0x9580;
	s17 =	sld [smem:$0x7E0]  }
0x153: {  	[tilespmem:s16], [sflag:$0x2] =	stream.linear.gather [hbm4b:s10+s3], $0x80, $0x38;
	[tilespmem:$0x12000] =	vst v63  }
0x154: {  	s18 =	simm.s32 $0x9980;
	s19 =	sld [smem:$0x7E1]  }
0x155: {  	[tilespmem:s18], [sflag:$0x2] =	stream.linear.gather [hbm4b:s17+s3], $0x80, $0x38;
	[tilespmem:$0x12000] =	vst v63  }
0x156: {  	s20 =	simm.s32 $0x9D80;
	s21 =	rddreg [dreg:$0x10]  }
0x157: {  	[tilespmem:s20], [sflag:$0x2] =	stream.linear.gather [hbm4b:s19+s3], $0x80, $0x38;
	[tilespmem:$0x12000] =	vst v63  }
0x158: {  	s23 =	simm.s32 $0x8200;
	s25 =	sld [smem:$0x7E2]  }
0x159: {  	[tilespmem:s23], [sflag:$0x2] =	stream.linear.gather [hbm4b:s21+s3], $0x80, $0x38;
	[tilespmem:$0x12000] =	vst v63  }
0x15a: {  	s26 =	simm.s32 $0x8600;
	s8 =	sld [smem:$0x7E3]  }
0x15b: {  	[tilespmem:s26], [sflag:$0x2] =	stream.linear.gather [hbm4b:s25+s3], $0x80, $0x38;
	[tilespmem:$0x12000] =	vst v63  }
0x15c: {  	s9 =	simm.s32 $0x8A00;
	s10 =	sld [smem:$0x7E4]  }
0x15d: {  	[tilespmem:s9], [sflag:$0x2] =	stream.linear.gather [hbm4b:s8+s3], $0x80, $0x38;
	[tilespmem:$0x12000] =	vst v63  }
0x15e: {  	s16 =	simm.s32 $0x8E00;
	s17 =	sld [smem:$0x7E5]  }
0x15f: {  	[tilespmem:s16], [sflag:$0x2] =	stream.linear.gather [hbm4b:s10+s3], $0x80, $0x38;
	[tilespmem:$0x12000] =	vst v63  }
0x160: {  	s18 =	simm.s32 $0x9200;
	s19 =	sld [smem:$0x7E6]  }
0x161: {  	[tilespmem:s18], [sflag:$0x2] =	stream.linear.gather [hbm4b:s17+s3], $0x80, $0x38;
	[tilespmem:$0x12000] =	vst v63  }
0x162: {  	s20 =	simm.s32 $0x9600;
	s21 =	sld [smem:$0x7E7]  }
0x163: {  	[tilespmem:s20], [sflag:$0x2] =	stream.linear.gather [hbm4b:s19+s3], $0x80, $0x38;
	[tilespmem:$0x12000] =	vst v63  }
0x164: {  	s23 =	simm.s32 $0x9A00;
	s25 =	sld [smem:$0x7E8]  }
0x165: {  	[tilespmem:s23], [sflag:$0x2] =	stream.linear.gather [hbm4b:s21+s3], $0x80, $0x38;
	[tilespmem:$0x12000] =	vst v63  }
0x166: {  	s26 =	simm.s32 $0x9E00;
	s8 =	rddreg [dreg:$0x12]  }
0x167: {  	[tilespmem:s26], [sflag:$0x2] =	stream.linear.gather [hbm4b:s25+s3], $0x80, $0x38;
	[tilespmem:$0x12000] =	vst v63  }
0x168: {  	s9 =	simm.s32 $0x8280;
	s10 =	sld [smem:$0x7E9]  }
0x169: {  	[tilespmem:s9], [sflag:$0x2] =	stream.linear.gather [hbm4b:s8+s3], $0x80, $0x38;
	[tilespmem:$0x12000] =	vst v63  }
0x16a: {  	s16 =	simm.s32 $0x8680;
	s17 =	sld [smem:$0x7EA]  }
0x16b: {  	[tilespmem:s16], [sflag:$0x2] =	stream.linear.gather [hbm4b:s10+s3], $0x80, $0x38;
	[tilespmem:$0x12000] =	vst v63  }
0x16c: {  	s18 =	simm.s32 $0x8A80;
	s19 =	sld [smem:$0x7EB]  }
0x16d: {  	[tilespmem:s18], [sflag:$0x2] =	stream.linear.gather [hbm4b:s17+s3], $0x80, $0x38;
	[tilespmem:$0x12000] =	vst v63  }
0x16e: {  	s20 =	simm.s32 $0x8E80;
	s21 =	sld [smem:$0x7EC]  }
0x16f: {  	[tilespmem:s20], [sflag:$0x2] =	stream.linear.gather [hbm4b:s19+s3], $0x80, $0x38;
	[tilespmem:$0x12000] =	vst v63  }
0x170: {  	s23 =	simm.s32 $0x9280;
	s25 =	sld [smem:$0x7ED]  }
0x171: {  	[tilespmem:s23], [sflag:$0x2] =	stream.linear.gather [hbm4b:s21+s3], $0x80, $0x38;
	[tilespmem:$0x12000] =	vst v63  }
0x172: {  	s26 =	simm.s32 $0x9680;
	s8 =	sld [smem:$0x7EE]  }
0x173: {  	[tilespmem:s26], [sflag:$0x2] =	stream.linear.gather [hbm4b:s25+s3], $0x80, $0x38;
	[tilespmem:$0x12000] =	vst v63  }
0x174: {  	s9 =	simm.s32 $0x9A80;
	s10 =	sld [smem:$0x7EF]  }
0x175: {  	[tilespmem:s9], [sflag:$0x2] =	stream.linear.gather [hbm4b:s8+s3], $0x80, $0x38;
	[tilespmem:$0x12000] =	vst v63  }
0x176: {  	s16 =	simm.s32 $0x9E80;
	s17 =	rddreg [dreg:$0x13]  }
0x177: {  	[tilespmem:s16], [sflag:$0x2] =	stream.linear.gather [hbm4b:s10+s3], $0x80, $0x38;
	[tilespmem:$0x12000] =	vst v63  }
0x178: {  	s18 =	simm.s32 $0x8300;
	s19 =	sld [smem:$0x7F0]  }
0x179: {  	[tilespmem:s18], [sflag:$0x2] =	stream.linear.gather [hbm4b:s17+s3], $0x80, $0x38;
	[tilespmem:$0x12000] =	vst v63  }
0x17a: {  	s20 =	simm.s32 $0x8700;
	s21 =	sld [smem:$0x7F1]  }
0x17b: {  	[tilespmem:s20], [sflag:$0x2] =	stream.linear.gather [hbm4b:s19+s3], $0x80, $0x38;
	[tilespmem:$0x12000] =	vst v63  }
0x17c: {  	s23 =	simm.s32 $0x8B00;
	s25 =	sld [smem:$0x7F2]  }
0x17d: {  	[tilespmem:s23], [sflag:$0x2] =	stream.linear.gather [hbm4b:s21+s3], $0x80, $0x38;
	[tilespmem:$0x12000] =	vst v63  }
0x17e: {  	s26 =	simm.s32 $0x8F00;
	s8 =	sld [smem:$0x7F3]  }
0x17f: {  	[tilespmem:s26], [sflag:$0x2] =	stream.linear.gather [hbm4b:s25+s3], $0x80, $0x38;
	[tilespmem:$0x12000] =	vst v63  }
0x180: {  	s9 =	simm.s32 $0x9300;
	s10 =	sld [smem:$0x7F4]  }
0x181: {  	[tilespmem:s9], [sflag:$0x2] =	stream.linear.gather [hbm4b:s8+s3], $0x80, $0x38;
	[tilespmem:$0x12000] =	vst v63  }
0x182: {  	s16 =	simm.s32 $0x9700;
	s17 =	sld [smem:$0x7F5]  }
0x183: {  	[tilespmem:s16], [sflag:$0x2] =	stream.linear.gather [hbm4b:s10+s3], $0x80, $0x38;
	[tilespmem:$0x12000] =	vst v63  }
0x184: {  	s18 =	simm.s32 $0x9B00;
	s19 =	sld [smem:$0x7F6]  }
0x185: {  	[tilespmem:s18], [sflag:$0x2] =	stream.linear.gather [hbm4b:s17+s3], $0x80, $0x38;
	[tilespmem:$0x12000] =	vst v63  }
0x186: {  	s20 =	simm.s32 $0x9F00;
	s21 =	rddreg [dreg:$0x16]  }
0x187: {  	[tilespmem:s20], [sflag:$0x2] =	stream.linear.gather [hbm4b:s19+s3], $0x80, $0x38;
	[tilespmem:$0x12000] =	vst v63  }
0x188: {  	s23 =	simm.s32 $0x8380;
	s25 =	sld [smem:$0x7F7]  }
0x189: {  	[tilespmem:s23], [sflag:$0x2] =	stream.linear.gather [hbm4b:s21+s3], $0x80, $0x38;
	[tilespmem:$0x12000] =	vst v63  }
0x18a: {  	s26 =	simm.s32 $0x8780;
	s8 =	sld [smem:$0x7F8]  }
0x18b: {  	[tilespmem:s26], [sflag:$0x2] =	stream.linear.gather [hbm4b:s25+s3], $0x80, $0x38;
	[tilespmem:$0x12000] =	vst v63  }
0x18c: {  	s9 =	simm.s32 $0x8B80;
	s10 =	sld [smem:$0x7F9]  }
0x18d: {  	[tilespmem:s9], [sflag:$0x2] =	stream.linear.gather [hbm4b:s8+s3], $0x80, $0x38;
	[tilespmem:$0x12000] =	vst v63  }
0x18e: {  	s16 =	simm.s32 $0x8F80;
	s17 =	sld [smem:$0x7FA]  }
0x18f: {  	[tilespmem:s16], [sflag:$0x2] =	stream.linear.gather [hbm4b:s10+s3], $0x80, $0x38;
	[tilespmem:$0x12000] =	vst v63  }
0x190: {  	s18 =	simm.s32 $0x9380;
	s19 =	sld [smem:$0x7FB]  }
0x191: {  	[tilespmem:s18], [sflag:$0x2] =	stream.linear.gather [hbm4b:s17+s3], $0x80, $0x38;
	[tilespmem:$0x12000] =	vst v63  }
0x192: {  	s20 =	sld [smem:$0x7FC]  }
0x193: {  	[tilespmem:s1], [sflag:$0x2] =	stream.linear.gather [hbm4b:s19+s3], $0x80, $0x38;
	[tilespmem:$0x12000] =	vst v63  }
0x194: {  	s21 =	sld [smem:$0x7FD]  }
0x195: {  	[tilespmem:s11], [sflag:$0x2] =	stream.linear.gather [hbm4b:s20+s3], $0x80, $0x38;
	[tilespmem:$0x12000] =	vst v63  }
0x196: {  	[smem:$0x795] =	sst s4  }
0x197: {  	[tilespmem:s12], [sflag:$0x2] =	stream.linear.gather [hbm4b:s21+s3], $0x80, $0x38;
	[tilespmem:$0x12000] =	vst v63  }
0x198: {  	s23 =	rddreg [dreg:$0x11];
	s25 =	simm.s32 $0x4000;
	s26 =	simm.s32 $0x5  }
0x199: {  	[tilespmem:s25], [sflag:$0x5] =	stream.linear.gather [hbm4b:s23+s3], $0x2000, $0x38;
	[tilespmem:$0x12000] =	vst v63  }
0x19a: {  	_ =	swait.ge [sflag:s26], $0x2000  }
0x19b: {  	[sflag:s26] =	ssyncset.done $0x0  }
0x19c: {  	s8 =	simm.s32 $0x40;
	[sflag:s26] =	ssyncadd.s32 $0xFFFFE000  }
0x19d: {  	[tilespmem:s8+$0xFFFFFFC0] =	vst v1  }
0x19e: {  	[tilespmem:s8+$0x30] =	vst v1  }
0x19f: {  	[tilespmem:s8+$0x20] =	vst v1  }
0x1a0: {  	[tilespmem:s8+$0x10] =	vst v1  }
0x1a1: {  	[tilespmem:s8+$0x0] =	vst v1  }
0x1a2: {  	[tilespmem:s8+$0xFFFFFFF0] =	vst v1  }
0x1a3: {  	s16 =	simm.s32 $0x0;
	s18 =	simm.s32 $0x4040;
	[tilespmem:s8+$0xFFFFFFE0] =	vst v1  }
.LBB2_2:
0x1a4: {  	s16 =	sadd.s32 $0x8, s16;
	[tilespmem:s8+$0xFFFFFFD0] =	vst v1;
	s8 =	sadd.s32 $0x80, s8  }
0x1a5: {  	[tilespmem:s8+$0xFFFFFFC0] =	vst v1;
	p0 =	slt.u32 s16, $0x3F8  }
0x1a6: {  	[tilespmem:s8+$0x30] =	vst v1  }
.Ltmp2:
0x1a7: {  	[tilespmem:s8+$0x20] =	vst v1;
	(pc) =	sbr.rel @p0 .LBB2_2-.Ltmp2, $4  }
0x1a8: {  	[tilespmem:s8+$0x10] =	vst v1  }
0x1a9: {  	[tilespmem:s8+$0x0] =	vst v1  }
0x1aa: {  	[tilespmem:s8+$0xFFFFFFF0] =	vst v1  }
0x1ab: {  	[tilespmem:s8+$0xFFFFFFE0] =	vst v1  }
0x1ac: {  	s16 =	simm.s32 $0x0;
	s17 =	simm.s32 $0x80;
	s19 =	simm.s32 $0xE0  }
0x1ad: {  	s10 =	simm.s32 $0xA0;
	s20 =	simm.s32 $0xC0;
	s23 =	simm.s32 $0x1E0;
	v6 =	vmov s16;
	v7 =	vmov s17;
	v8 =	vmov s19  }
0x1ae: {  	s25 =	simm.s32 $0x1A0;
	s26 =	simm.s32 $0x1C0;
	v9 =	vmov s10;
	v10 =	vmov s20;
	v16 =	vmov s23  }
0x1af: {  	v21 =	vmov s25;
	v23 =	vmov s26;
	v6 =	vshrl.u32 v6, $0x7  }
0x1b0: {  	v8 =	vshrl.u32 v8, $0x7;
	v7 =	vshrl.u32 v7, $0x7;
	v9 =	vshrl.u32 v9, $0x7  }
0x1b1: {  	v10 =	vshrl.u32 v10, $0x7;
	v16 =	vshrl.u32 v16, $0x7;
	v8 =	vshll.u32 v8, v2  }
0x1b2: {  	v7 =	vshll.u32 v7, v2;
	v6 =	vshll.u32 v6, v2;
	v8 =	vbroadcast v8, $0x0  }
0x1b3: {  	[tilespmem:s8+$0xFFFFFFD0] =	vst v1;
	v9 =	vshll.u32 v9, v2;
	v10 =	vshll.u32 v10, v2;
	v7 =	vbroadcast v7, $0x0  }
0x1b4: {  	v12 =	vld [tilespmem:s18+$0x30];
	v9 =	vbroadcast v9, $0x0;
	v11 =	vbroadcast v6, $0x0;
	v13 =	vor.u32 v5, v8  }
0x1b5: {  	v15 =	vld [tilespmem:s18+$0xFFFFFFD0];
	s17 =	simm.s32 $0x100;
	v21 =	vshrl.u32 v21, $0x7;
	v8 =	vbroadcast v10, $0x0;
	v14 =	vor.u32 v0, v7  }
0x1b6: {  	v22 =	vld [tilespmem:s18+$0x10];
	v17 =	vor.u32 v3, v9;
	v18 =	vor.u32 v3, v11;
	v10 =	vmov s17  }
0x1b7: {  	s21 =	simm.s32 $0x180;
	v24 =	vld [tilespmem:s18+$0x20];
	v6 =	vor.u32 v0, v11;
	v7 =	vor.u32 v4, v11;
	v19 =	vshrl.u32 v10, $0x7  }
0x1b8: {  	v10 =	vmov s21;
	v20 =	vor.u32 v4, v8;
	v8 =	vor.u32 v5, v11;
	v11 =	vld [tilespmem:s18+$0x0]  }
0x1b9: {  	v23 =	vshrl.u32 v23, $0x7;
	v9 =	vld [tilespmem:s18+$0xFFFFFFE0];
	v25 =	vshrl.u32 v10, $0x7;
	[tilespmem:v13+s16+$0x0] =	vst.idx.msk $0xffff, v12;
	v12 =	vshll.u32 v16, v2  }
0x1ba: {  	v23 =	vshll.u32 v23, v2;
	v10 =	vld [tilespmem:s18+$0xFFFFFFF0];
	v13 =	vshll.u32 v25, v2;
	v12 =	vbroadcast v12, $0x0  }
0x1bb: {  	v16 =	vld [tilespmem:s18+$0xFFFFFFC0];
	[tilespmem:v18+s16+$0x0] =	vst.idx.msk $0xffff, v15;
	v15 =	vshll.u32 v19, v2;
	v18 =	vshll.u32 v21, v2;
	s18 =	simm.s32 $0x40C0  }
0x1bc: {  	[tilespmem:v17+s16+$0x0] =	vst.idx.msk $0xffff, v22;
	v13 =	vbroadcast v13, $0x0;
	v63 =	vbroadcast v18, $0x0;
	v18 =	vld [tilespmem:s18+$0x30];
	v19 =	vor.u32 v5, v12  }
0x1bd: {  	v23 =	vbroadcast v23, $0x0;
	v21 =	vbroadcast v15, $0x0;
	v15 =	vld [tilespmem:s18+$0xFFFFFFD0];
	[tilespmem:v14+s16+$0x0] =	vst.idx.msk $0xffff, v11  }
0x1be: {  	v17 =	vld [tilespmem:s18+$0xFFFFFFF0];
	[tilespmem:v20+s16+$0x0] =	vst.idx.msk $0xffff, v24;
	v12 =	vor.u32 v0, v13;
	v11 =	vor.u32 v3, v63  }
0x1bf: {  	s19 =	simm.s32 $0x8;
	s20 =	simm.s32 $0x200;
	v14 =	vld [tilespmem:s18+$0xFFFFFFE0];
	v22 =	vor.u32 v0, v21;
	v20 =	vor.u32 v3, v21;
	v13 =	vor.u32 v4, v23  }
.LBB2_4:
0x1c0: {  	v23 =	vmov s20;
	s8 =	sadd.s32 $0x80, s20;
	s21 =	sadd.s32 $0xE0, s20;
	s19 =	sadd.s32 $0x8, s19;
	v24 =	vor.u32 v4, v21;
	v21 =	vor.u32 v5, v21;
	v25 =	vld [tilespmem:s18+$0x0];
	[tilespmem:v6+s16+$0x0] =	vst.idx.msk $0xffff, v16;
	v6 =	vmovc v22  }
0x1c1: {  	s23 =	sadd.s32 $0xC0, s20;
	v22 =	vshrl.u32 v23, $0x7;
	v16 =	vmov s8;
	s8 =	sadd.s32 $0xA0, s20;
	v23 =	vmov s21;
	p0 =	slt.u32 s19, $0x1F8;
	v26 =	vld [tilespmem:s18+$0x10];
	[tilespmem:v19+s16+$0x0] =	vst.idx.msk $0xffff, v18  }
0x1c2: {  	v19 =	vmov s23;
	v18 =	vmov s8;
	v23 =	vshrl.u32 v23, $0x7;
	v27 =	vld [tilespmem:s18+$0x20];
	[tilespmem:v7+s16+$0x0] =	vst.idx.msk $0xffff, v9;
	v7 =	vmovc v24  }
0x1c3: {  	v24 =	vshrl.u32 v16, $0x7;
	v18 =	vshrl.u32 v18, $0x7;
	v23 =	vshll.u32 v23, v2;
	v16 =	vld [tilespmem:s18+$0xFFFFFFC0];
	[tilespmem:v8+s16+$0x0] =	vst.idx.msk $0xffff, v10;
	v8 =	vmovc v21  }
0x1c4: {  	v21 =	vshll.u32 v24, v2;
	v24 =	vshrl.u32 v19, $0x7;
	v9 =	vmovc v14;
	v19 =	vbroadcast v23, $0x0;
	[tilespmem:v20+s16+$0x0] =	vst.idx.msk $0xffff, v15  }
.Ltmp3:
0x1c5: {  	v14 =	vshll.u32 v22, v2;
	s18 =	sadd.s32 $0x80, s18;
	v15 =	vshll.u32 v18, v2;
	v20 =	vshll.u32 v24, v2;
	v10 =	vmovc v17;
	(pc) =	sbr.rel @p0 .LBB2_4-.Ltmp3, $4  }
0x1c6: {  	v17 =	vbroadcast v21, $0x0;
	v22 =	vbroadcast v15, $0x0;
	v18 =	vld [tilespmem:s18+$0x30];
	v19 =	vor.u32 v5, v19;
	[tilespmem:v12+s16+$0x0] =	vst.idx.msk $0xffff, v25  }
0x1c7: {  	v21 =	vbroadcast v14, $0x0;
	v23 =	vbroadcast v20, $0x0;
	v15 =	vld [tilespmem:s18+$0xFFFFFFD0];
	[tilespmem:v11+s16+$0x0] =	vst.idx.msk $0xffff, v26  }
0x1c8: {  	v12 =	vor.u32 v0, v17;
	v11 =	vor.u32 v3, v22;
	v14 =	vld [tilespmem:s18+$0xFFFFFFE0];
	[tilespmem:v13+s16+$0x0] =	vst.idx.msk $0xffff, v27  }
0x1c9: {  	s20 =	sadd.s32 $0x100, s20;
	v20 =	vor.u32 v3, v21;
	v22 =	vor.u32 v0, v21;
	v13 =	vor.u32 v4, v23;
	v17 =	vld [tilespmem:s18+$0xFFFFFFF0]  }
0x1ca: {  	_ =	sdelay $0x3  }
0x1cb: {  	v23 =	vld [tilespmem:s18+$0x0];
	[tilespmem:v6+s16+$0x0] =	vst.idx.msk $0xffff, v16  }
0x1cc: {  	v6 =	vld [tilespmem:s18+$0x10];
	[tilespmem:v7+s16+$0x0] =	vst.idx.msk $0xffff, v9  }
0x1cd: {  	v61 =	vld [tilespmem:s18+$0x20];
	[tilespmem:v8+s16+$0x0] =	vst.idx.msk $0xffff, v10  }
0x1ce: {  	v7 =	vld [tilespmem:s18+$0xFFFFFFC0];
	[tilespmem:v19+s16+$0x0] =	vst.idx.msk $0xffff, v18  }
0x1cf: {  	v62 =	vor.u32 v4, v21;
	[tilespmem:v20+s16+$0x0] =	vst.idx.msk $0xffff, v15  }
0x1d0: {  	v63 =	vor.u32 v5, v21;
	[tilespmem:v12+s16+$0x0] =	vst.idx.msk $0xffff, v23  }
0x1d1: {  	[tilespmem:v11+s16+$0x0] =	vst.idx.msk $0xffff, v6  }
0x1d2: {  	[tilespmem:v13+s16+$0x0] =	vst.idx.msk $0xffff, v61  }
0x1d3: {  	s8 =	sand.u32 $0x2000, s16;
	s26 =	sand.u32 $0x1C00, s16;
	[tilespmem:v22+s16+$0x0] =	vst.idx.msk $0xffff, v7  }
0x1d4: {  	s19 =	sand.u32 $0x300, s16;
	s8 =	sor.u32 s8, s26;
	[tilespmem:v62+s16+$0x0] =	vst.idx.msk $0xffff, v14  }
0x1d5: {  	s8 =	sor.u32 s19, s8;
	[tilespmem:v63+s16+$0x0] =	vst.idx.msk $0xffff, v17  }
0x1d6: {  	[tilespmem:s8+$0xE0F0] =	vst v1  }
0x1d7: {  	[tilespmem:s8+$0xA080] =	vst v1  }
0x1d8: {  	[tilespmem:s8+$0xE080] =	vst v1  }
0x1d9: {  	[tilespmem:s8+$0xA090] =	vst v1  }
0x1da: {  	[tilespmem:s8+$0xE090] =	vst v1  }
0x1db: {  	[tilespmem:s8+$0xA0A0] =	vst v1  }
0x1dc: {  	[tilespmem:s8+$0xE0A0] =	vst v1  }
0x1dd: {  	[tilespmem:s8+$0xA0B0] =	vst v1  }
0x1de: {  	[tilespmem:s8+$0xE0B0] =	vst v1  }
0x1df: {  	[tilespmem:s8+$0xA0C0] =	vst v1  }
0x1e0: {  	[tilespmem:s8+$0xE0C0] =	vst v1  }
0x1e1: {  	[tilespmem:s8+$0xA0D0] =	vst v1  }
0x1e2: {  	s18 =	simm.s32 $0x0;
	s20 =	simm.s32 $0x400;
	s19 =	simm.s32 $0x20;
	[tilespmem:s8+$0xE0D0] =	vst v1  }
.LBB2_6:
0x1e3: {  	s16 =	sand.u32 $0x2000, s17;
	s21 =	sand.u32 $0x1C00, s20;
	s18 =	sadd.s32 $0x8, s18;
	[tilespmem:s8+$0xA0E0] =	vst v1  }
0x1e4: {  	s23 =	sand.u32 $0x300, s19;
	s16 =	sor.u32 s16, s21;
	p0 =	slt.u32 s18, $0x1F8;
	[tilespmem:s8+$0xE0E0] =	vst v1  }
0x1e5: {  	[tilespmem:s8+$0xA0F0] =	vst v1;
	s8 =	sor.u32 s23, s16  }
0x1e6: {  	s16 =	simm.s32 $0x0;
	[tilespmem:s8+$0xE0F0] =	vst v1  }
0x1e7: {  	[tilespmem:s8+$0xA080] =	vst v1  }
0x1e8: {  	[tilespmem:s8+$0xE080] =	vst v1  }
0x1e9: {  	[tilespmem:s8+$0xA090] =	vst v1  }
0x1ea: {  	[tilespmem:s8+$0xE090] =	vst v1  }
0x1eb: {  	[tilespmem:s8+$0xA0A0] =	vst v1  }
0x1ec: {  	[tilespmem:s8+$0xE0A0] =	vst v1  }
0x1ed: {  	[tilespmem:s8+$0xA0B0] =	vst v1  }
.Ltmp4:
0x1ee: {  	[tilespmem:s8+$0xE0B0] =	vst v1;
	(pc) =	sbr.rel @p0 .LBB2_6-.Ltmp4, $4  }
0x1ef: {  	[tilespmem:s8+$0xA0C0] =	vst v1  }
0x1f0: {  	[tilespmem:s8+$0xE0C0] =	vst v1  }
0x1f1: {  	[tilespmem:s8+$0xA0D0] =	vst v1  }
0x1f2: {  	s19 =	sadd.s32 $0x20, s19;
	s20 =	sadd.s32 $0x400, s20;
	s17 =	sadd.s32 $0x100, s17;
	[tilespmem:s8+$0xE0D0] =	vst v1  }
0x1f3: {  	[tilespmem:s8+$0xA0E0] =	vst v1  }
0x1f4: {  	[tilespmem:s8+$0xE0E0] =	vst v1  }
0x1f5: {  	[tilespmem:s8+$0xA0F0] =	vst v1;
	s17 =	simm.s32 $0x0  }
.LBB2_8:
0x1f6: {  	p0 =	seq.s32 s17, $0x0  }
0x1f7: {  	s8 =	simm.s32 @!p0 $0x3  }
0x1f8: {  	_ =	swait.ge @!p0 [sflag:s8], $0x4000  }
0x1f9: {  	[sflag:s8] =	ssyncset.done @!p0 $0x0  }
0x1fa: {  	s10 =	sand.u32 $0x380, s16;
	[sflag:s8] =	ssyncadd.s32 @!p0 $0xFFFFC000  }
0x1fb: {  	s18 =	simm.s32 $0x0;
	s20 =	simm.s32 $0x0;
	_ =	swait.ge [sflag:s28], $0x2000  }
0x1fc: {  	s21 =	sshll.u32 s10, $0x3;
	s18 =	sand.u32 $0x3FFFFF80, s18;
	[sflag:s28] =	ssyncset.done $0x0  }
0x1fd: {  	s23 =	sand.u32 $0x3FFFFC00, s20;
	s19 =	sadd.s32 s21, s18;
	[sflag:s28] =	ssyncadd.s32 $0xFFFFE000  }
0x1fe: {  	s20 =	sor.u32 s10, s23;
	v6 =	vld [tilespmem:s19+$0x6070]  }
0x1ff: {  	v8 =	vld [tilespmem:s20+$0x70]  }
0x200: {  	v9 =	vld [tilespmem:s19+$0x6000]  }
0x201: {  	v10 =	vld [tilespmem:s20+$0x0]  }
0x202: {  	v12 =	vld [tilespmem:s19+$0x6010]  }
0x203: {  	v13 =	vld [tilespmem:s20+$0x10]  }
0x204: {  	s25 =	simm.s32 $0x0;
	v7 =	vld [tilespmem:s19+$0x6020]  }
0x205: {  	s26 =	sand.u32 $0x2000, s16;
	s8 =	sand.u32 $0x300, s25;
	v11 =	vld [tilespmem:s20+$0x20]  }
0x206: {  	s8 =	sor.u32 s8, s26;
	v8 =	vmul.f32 v8, v6;
	v6 =	vld [tilespmem:s19+$0x6030]  }
0x207: {  	s21 =	sor.u32 s21, s8;
	v10 =	vmul.f32 v10, v9;
	v9 =	vld [tilespmem:s20+$0x30]  }
0x208: {  	s18 =	sshll.u32 s17, $0x14;
	v12 =	vmul.f32 v13, v12;
	[tilespmem:s21+$0xA070] =	vst v8;
	v8 =	vld [tilespmem:s19+$0x6040]  }
0x209: {  	s23 =	simm.s32 $0x0;
	s25 =	simm.s32 $0x0;
	s26 =	simm.s32 $0x0;
	[tilespmem:s21+$0xA000] =	vst v10;
	v10 =	vld [tilespmem:s20+$0x40]  }
.LBB2_9:
0x20a: {  	s23 =	sadd.s32 $0x8, s23;
	[tilespmem:s21+$0xA010] =	vst v12;
	v7 =	vmul.f32 v11, v7;
	v11 =	vld [tilespmem:s19+$0x6050];
	s25 =	sadd.s32 $0x80, s25  }
0x20b: {  	s8 =	sand.u32 $0x380, s25;
	s9 =	sshll.u32 s23, $0x1;
	p1 =	slt.u32 s23, $0x1F8;
	v12 =	vld [tilespmem:s20+$0x50]  }
0x20c: {  	s4 =	sshll.u32 s23, $0x4;
	s10 =	sshll.u32 s8, $0x3;
	s9 =	sand.u32 $0x3FFFFF80, s9;
	[tilespmem:s21+$0xA020] =	vst v7;
	v6 =	vmul.f32 v9, v6;
	v7 =	vld [tilespmem:s19+$0x6060]  }
0x20d: {  	s4 =	sand.u32 $0x3FFFFC00, s4;
	s19 =	sadd.s32 s10, s9;
	v9 =	vld [tilespmem:s20+$0x60]  }
0x20e: {  	s20 =	sor.u32 s8, s4;
	v13 =	vld [tilespmem:s19+$0x6070];
	[tilespmem:s21+$0xA030] =	vst v6;
	v6 =	vmul.f32 v10, v8  }
0x20f: {  	v8 =	vld [tilespmem:s20+$0x70]  }
0x210: {  	v10 =	vld [tilespmem:s19+$0x6000];
	[tilespmem:s21+$0xA040] =	vst v6;
	v6 =	vmul.f32 v12, v11  }
0x211: {  	v12 =	vld [tilespmem:s20+$0x0]  }
0x212: {  	s26 =	sadd.s32 $0x100, s26;
	s4 =	sshll.u32 s23, $0x2;
	v14 =	vld [tilespmem:s19+$0x6010];
	[tilespmem:s21+$0xA050] =	vst v6;
	v6 =	vmul.f32 v9, v7  }
0x213: {  	s8 =	sand.u32 $0x2000, s26;
	s4 =	sand.u32 $0x300, s4;
	v15 =	vld [tilespmem:s20+$0x10]  }
0x214: {  	s4 =	sor.u32 s4, s8;
	v7 =	vld [tilespmem:s19+$0x6020];
	v8 =	vmul.f32 v8, v13;
	[tilespmem:s21+$0xA060] =	vst v6  }
.Ltmp5:
0x215: {  	s21 =	sor.u32 s10, s4;
	v11 =	vld [tilespmem:s20+$0x20];
	(pc) =	sbr.rel @p1 .LBB2_9-.Ltmp5, $4  }
0x216: {  	v10 =	vmul.f32 v12, v10;
	v6 =	vld [tilespmem:s19+$0x6030];
	[tilespmem:s21+$0xA070] =	vst v8  }
0x217: {  	v9 =	vld [tilespmem:s20+$0x30]  }
0x218: {  	[tilespmem:s21+$0xA000] =	vst v10;
	v12 =	vmul.f32 v15, v14;
	v8 =	vld [tilespmem:s19+$0x6040]  }
0x219: {  	v10 =	vld [tilespmem:s20+$0x40]  }
0x21a: {  	v13 =	vld [tilespmem:s19+$0x6050]  }
0x21b: {  	v14 =	vld [tilespmem:s20+$0x50]  }
0x21c: {  	v15 =	vld [tilespmem:s19+$0x6060]  }
0x21d: {  	v16 =	vld [tilespmem:s20+$0x60]  }
0x21e: {  	v7 =	vmul.f32 v11, v7  }
0x21f: {  	[tilespmem:s21+$0xA010] =	vst v12;
	v6 =	vmul.f32 v9, v6  }
0x220: {  	p1 =	seq.s32 s17, $0xF;
	[tilespmem:s21+$0xA020] =	vst v7;
	v7 =	vmul.f32 v10, v8  }
.Ltmp6:
0x221: {  	[tilespmem:s21+$0xA030] =	vst v6;
	v6 =	vmul.f32 v14, v13;
	(pc) =	sbr.rel @p1 .LBB2_12-.Ltmp6, $4  }
0x222: {  	[tilespmem:s21+$0xA040] =	vst v7;
	v7 =	vmul.f32 v16, v15  }
0x223: {  	s19 =	sshll.u32 s17, $0x11;
	[tilespmem:s21+$0xA050] =	vst v6  }
0x224: {  	s4 =	sadd.s32 s19, s22;
	[tilespmem:s21+$0xA060] =	vst v7  }
0x225: {  	[hbm4b:s4+s3] =	stream.linear.scatter [tilespmem:s24], [sflag:$0x3], $0x4000, $0x38;
	[tilespmem:$0x12000] =	vst v63  }
0x226: {  	s8 =	sadd.s32 $0x100000, s18;
	s0 =	rddreg [dreg:$0x14]  }
0x227: {  	s4 =	sor.u32 s0, s8  }
0x228: {  	s4 =	sshrl.u32 s4, $0x3  }
0x229: {  	s10 =	simm.s32 $0x6000;
	s9 =	sadd.s32 s2, s4  }
0x22a: {  	[tilespmem:s10], [sflag:$0x1] =	stream.linear.gather [hbm4b:s9+s3], $0x80, $0x38;
	[tilespmem:$0x12000] =	vst v63  }
0x22b: {  	s20 =	simm.s32 $0x6400;
	s10 =	sadd.s32 $0x80, s9  }
0x22c: {  	[tilespmem:s20], [sflag:$0x1] =	stream.linear.gather [hbm4b:s10+s3], $0x80, $0x38;
	[tilespmem:$0x12000] =	vst v63  }
0x22d: {  	s23 =	simm.s32 $0x6800;
	s21 =	sadd.s32 $0x100, s9  }
0x22e: {  	[tilespmem:s23], [sflag:$0x1] =	stream.linear.gather [hbm4b:s21+s3], $0x80, $0x38;
	[tilespmem:$0x12000] =	vst v63  }
0x22f: {  	s26 =	simm.s32 $0x6C00;
	s25 =	sadd.s32 $0x180, s9  }
0x230: {  	[tilespmem:s26], [sflag:$0x1] =	stream.linear.gather [hbm4b:s25+s3], $0x80, $0x38;
	[tilespmem:$0x12000] =	vst v63  }
0x231: {  	s0 =	sadd.s32 $0x200, s9;
	s20 =	simm.s32 $0x7000  }
0x232: {  	[tilespmem:s20], [sflag:$0x1] =	stream.linear.gather [hbm4b:s0+s3], $0x80, $0x38;
	[tilespmem:$0x12000] =	vst v63  }
0x233: {  	s21 =	sadd.s32 $0x280, s9;
	s23 =	simm.s32 $0x7400  }
0x234: {  	[tilespmem:s23], [sflag:$0x1] =	stream.linear.gather [hbm4b:s21+s3], $0x80, $0x38;
	[tilespmem:$0x12000] =	vst v63  }
0x235: {  	s25 =	sadd.s32 $0x300, s9;
	s26 =	simm.s32 $0x7800  }
0x236: {  	[tilespmem:s26], [sflag:$0x1] =	stream.linear.gather [hbm4b:s25+s3], $0x80, $0x38;
	[tilespmem:$0x12000] =	vst v63  }
0x237: {  	s10 =	simm.s32 $0x7C00;
	s9 =	sadd.s32 $0x380, s9  }
0x238: {  	[tilespmem:s10], [sflag:$0x1] =	stream.linear.gather [hbm4b:s9+s3], $0x80, $0x38;
	[tilespmem:$0x12000] =	vst v63  }
0x239: {  	s20 =	simm.s32 $0x6080;
	s9 =	sadd.s32 s4, s5  }
0x23a: {  	[tilespmem:s20], [sflag:$0x1] =	stream.linear.gather [hbm4b:s9+s3], $0x80, $0x38;
	[tilespmem:$0x12000] =	vst v63  }
0x23b: {  	s23 =	simm.s32 $0x6480;
	s21 =	sadd.s32 $0x80, s9  }
0x23c: {  	[tilespmem:s23], [sflag:$0x1] =	stream.linear.gather [hbm4b:s21+s3], $0x80, $0x38;
	[tilespmem:$0x12000] =	vst v63  }
0x23d: {  	s26 =	simm.s32 $0x6880;
	s25 =	sadd.s32 $0x100, s9  }
0x23e: {  	[tilespmem:s26], [sflag:$0x1] =	stream.linear.gather [hbm4b:s25+s3], $0x80, $0x38;
	[tilespmem:$0x12000] =	vst v63  }
0x23f: {  	s0 =	sadd.s32 $0x180, s9;
	s20 =	simm.s32 $0x6C80  }
0x240: {  	[tilespmem:s20], [sflag:$0x1] =	stream.linear.gather [hbm4b:s0+s3], $0x80, $0x38;
	[tilespmem:$0x12000] =	vst v63  }
0x241: {  	s21 =	sadd.s32 $0x200, s9;
	s23 =	simm.s32 $0x7080  }
0x242: {  	[tilespmem:s23], [sflag:$0x1] =	stream.linear.gather [hbm4b:s21+s3], $0x80, $0x38;
	[tilespmem:$0x12000] =	vst v63  }
0x243: {  	s25 =	sadd.s32 $0x280, s9;
	s26 =	simm.s32 $0x7480  }
0x244: {  	[tilespmem:s26], [sflag:$0x1] =	stream.linear.gather [hbm4b:s25+s3], $0x80, $0x38;
	[tilespmem:$0x12000] =	vst v63  }
0x245: {  	s0 =	sadd.s32 $0x300, s9;
	s20 =	simm.s32 $0x7880  }
0x246: {  	[tilespmem:s20], [sflag:$0x1] =	stream.linear.gather [hbm4b:s0+s3], $0x80, $0x38;
	[tilespmem:$0x12000] =	vst v63  }
0x247: {  	s9 =	sadd.s32 $0x380, s9;
	s21 =	simm.s32 $0x7C80  }
0x248: {  	[tilespmem:s21], [sflag:$0x1] =	stream.linear.gather [hbm4b:s9+s3], $0x80, $0x38;
	[tilespmem:$0x12000] =	vst v63  }
0x249: {  	s23 =	simm.s32 $0x6100;
	s9 =	sadd.s32 s4, s6  }
0x24a: {  	[tilespmem:s23], [sflag:$0x1] =	stream.linear.gather [hbm4b:s9+s3], $0x80, $0x38;
	[tilespmem:$0x12000] =	vst v63  }
0x24b: {  	s26 =	simm.s32 $0x6500;
	s25 =	sadd.s32 $0x80, s9  }
0x24c: {  	[tilespmem:s26], [sflag:$0x1] =	stream.linear.gather [hbm4b:s25+s3], $0x80, $0x38;
	[tilespmem:$0x12000] =	vst v63  }
0x24d: {  	s20 =	simm.s32 $0x6900;
	s0 =	sadd.s32 $0x100, s9  }
0x24e: {  	[tilespmem:s20], [sflag:$0x1] =	stream.linear.gather [hbm4b:s0+s3], $0x80, $0x38;
	[tilespmem:$0x12000] =	vst v63  }
0x24f: {  	s21 =	sadd.s32 $0x180, s9;
	s23 =	simm.s32 $0x6D00  }
0x250: {  	[tilespmem:s23], [sflag:$0x1] =	stream.linear.gather [hbm4b:s21+s3], $0x80, $0x38;
	[tilespmem:$0x12000] =	vst v63  }
0x251: {  	s25 =	sadd.s32 $0x200, s9;
	s26 =	simm.s32 $0x7100  }
0x252: {  	[tilespmem:s26], [sflag:$0x1] =	stream.linear.gather [hbm4b:s25+s3], $0x80, $0x38;
	[tilespmem:$0x12000] =	vst v63  }
0x253: {  	s20 =	sadd.s32 $0x280, s9;
	s21 =	simm.s32 $0x7500  }
0x254: {  	[tilespmem:s21], [sflag:$0x1] =	stream.linear.gather [hbm4b:s20+s3], $0x80, $0x38;
	[tilespmem:$0x12000] =	vst v63  }
0x255: {  	s23 =	sadd.s32 $0x300, s9;
	s25 =	simm.s32 $0x7900  }
0x256: {  	[tilespmem:s25], [sflag:$0x1] =	stream.linear.gather [hbm4b:s23+s3], $0x80, $0x38;
	[tilespmem:$0x12000] =	vst v63  }
0x257: {  	s9 =	sadd.s32 $0x380, s9;
	s26 =	simm.s32 $0x7D00  }
0x258: {  	[tilespmem:s26], [sflag:$0x1] =	stream.linear.gather [hbm4b:s9+s3], $0x80, $0x38;
	[tilespmem:$0x12000] =	vst v63  }
0x259: {  	s4 =	sadd.s32 s4, s7;
	s9 =	simm.s32 $0x6180  }
0x25a: {  	[tilespmem:s9], [sflag:$0x1] =	stream.linear.gather [hbm4b:s4+s3], $0x80, $0x38;
	[tilespmem:$0x12000] =	vst v63  }
0x25b: {  	s10 =	sadd.s32 $0x80, s4;
	s20 =	simm.s32 $0x6580  }
0x25c: {  	[tilespmem:s20], [sflag:$0x1] =	stream.linear.gather [hbm4b:s10+s3], $0x80, $0x38;
	[tilespmem:$0x12000] =	vst v63  }
0x25d: {  	s21 =	sadd.s32 $0x100, s4;
	s23 =	simm.s32 $0x6980  }
0x25e: {  	[tilespmem:s23], [sflag:$0x1] =	stream.linear.gather [hbm4b:s21+s3], $0x80, $0x38;
	[tilespmem:$0x12000] =	vst v63  }
0x25f: {  	s25 =	sadd.s32 $0x180, s4;
	s26 =	simm.s32 $0x6D80  }
0x260: {  	[tilespmem:s26], [sflag:$0x1] =	stream.linear.gather [hbm4b:s25+s3], $0x80, $0x38;
	[tilespmem:$0x12000] =	vst v63  }
0x261: {  	s0 =	sadd.s32 $0x200, s4;
	s10 =	simm.s32 $0x7180  }
0x262: {  	[tilespmem:s10], [sflag:$0x1] =	stream.linear.gather [hbm4b:s0+s3], $0x80, $0x38;
	[tilespmem:$0x12000] =	vst v63  }
0x263: {  	s20 =	sadd.s32 $0x280, s4;
	s21 =	simm.s32 $0x7580  }
0x264: {  	[tilespmem:s21], [sflag:$0x1] =	stream.linear.gather [hbm4b:s20+s3], $0x80, $0x38;
	[tilespmem:$0x12000] =	vst v63  }
0x265: {  	s23 =	sadd.s32 $0x300, s4;
	s25 =	simm.s32 $0x7980  }
0x266: {  	[tilespmem:s25], [sflag:$0x1] =	stream.linear.gather [hbm4b:s23+s3], $0x80, $0x38;
	[tilespmem:$0x12000] =	vst v63  }
0x267: {  	s4 =	sadd.s32 $0x380, s4;
	s26 =	simm.s32 $0x7D80  }
0x268: {  	[tilespmem:s26], [sflag:$0x1] =	stream.linear.gather [hbm4b:s4+s3], $0x80, $0x38;
	[tilespmem:$0x12000] =	vst v63  }
0x269: {  	s4 =	rddreg [dreg:$0x17]  }
0x26a: {  	s8 =	sor.u32 s4, s8  }
0x26b: {  	s4 =	sshrl.u32 s8, $0x3  }
0x26c: {  	s9 =	simm.s32 $0x6200;
	s8 =	sadd.s32 s2, s4  }
0x26d: {  	[tilespmem:s9], [sflag:$0x1] =	stream.linear.gather [hbm4b:s8+s3], $0x80, $0x38;
	[tilespmem:$0x12000] =	vst v63  }
0x26e: {  	s20 =	simm.s32 $0x6600;
	s10 =	sadd.s32 $0x80, s8  }
0x26f: {  	[tilespmem:s20], [sflag:$0x1] =	stream.linear.gather [hbm4b:s10+s3], $0x80, $0x38;
	[tilespmem:$0x12000] =	vst v63  }
0x270: {  	s23 =	simm.s32 $0x6A00;
	s21 =	sadd.s32 $0x100, s8  }
0x271: {  	[tilespmem:s23], [sflag:$0x1] =	stream.linear.gather [hbm4b:s21+s3], $0x80, $0x38;
	[tilespmem:$0x12000] =	vst v63  }
0x272: {  	s26 =	simm.s32 $0x6E00;
	s25 =	sadd.s32 $0x180, s8  }
0x273: {  	[tilespmem:s26], [sflag:$0x1] =	stream.linear.gather [hbm4b:s25+s3], $0x80, $0x38;
	[tilespmem:$0x12000] =	vst v63  }
0x274: {  	s0 =	sadd.s32 $0x200, s8;
	s10 =	simm.s32 $0x7200  }
0x275: {  	[tilespmem:s10], [sflag:$0x1] =	stream.linear.gather [hbm4b:s0+s3], $0x80, $0x38;
	[tilespmem:$0x12000] =	vst v63  }
0x276: {  	s20 =	sadd.s32 $0x280, s8;
	s21 =	simm.s32 $0x7600  }
0x277: {  	[tilespmem:s21], [sflag:$0x1] =	stream.linear.gather [hbm4b:s20+s3], $0x80, $0x38;
	[tilespmem:$0x12000] =	vst v63  }
0x278: {  	s23 =	sadd.s32 $0x300, s8;
	s25 =	simm.s32 $0x7A00  }
0x279: {  	[tilespmem:s25], [sflag:$0x1] =	stream.linear.gather [hbm4b:s23+s3], $0x80, $0x38;
	[tilespmem:$0x12000] =	vst v63  }
0x27a: {  	s8 =	sadd.s32 $0x380, s8;
	s26 =	simm.s32 $0x7E00  }
0x27b: {  	[tilespmem:s26], [sflag:$0x1] =	stream.linear.gather [hbm4b:s8+s3], $0x80, $0x38;
	[tilespmem:$0x12000] =	vst v63  }
0x27c: {  	s9 =	simm.s32 $0x6280;
	s8 =	sadd.s32 s4, s5  }
0x27d: {  	[tilespmem:s9], [sflag:$0x1] =	stream.linear.gather [hbm4b:s8+s3], $0x80, $0x38;
	[tilespmem:$0x12000] =	vst v63  }
0x27e: {  	s20 =	simm.s32 $0x6680;
	s10 =	sadd.s32 $0x80, s8  }
0x27f: {  	[tilespmem:s20], [sflag:$0x1] =	stream.linear.gather [hbm4b:s10+s3], $0x80, $0x38;
	[tilespmem:$0x12000] =	vst v63  }
0x280: {  	s23 =	simm.s32 $0x6A80;
	s21 =	sadd.s32 $0x100, s8  }
0x281: {  	[tilespmem:s23], [sflag:$0x1] =	stream.linear.gather [hbm4b:s21+s3], $0x80, $0x38;
	[tilespmem:$0x12000] =	vst v63  }
0x282: {  	s26 =	simm.s32 $0x6E80;
	s25 =	sadd.s32 $0x180, s8  }
0x283: {  	[tilespmem:s26], [sflag:$0x1] =	stream.linear.gather [hbm4b:s25+s3], $0x80, $0x38;
	[tilespmem:$0x12000] =	vst v63  }
0x284: {  	s0 =	sadd.s32 $0x200, s8;
	s10 =	simm.s32 $0x7280  }
0x285: {  	[tilespmem:s10], [sflag:$0x1] =	stream.linear.gather [hbm4b:s0+s3], $0x80, $0x38;
	[tilespmem:$0x12000] =	vst v63  }
0x286: {  	s20 =	sadd.s32 $0x280, s8;
	s21 =	simm.s32 $0x7680  }
0x287: {  	[tilespmem:s21], [sflag:$0x1] =	stream.linear.gather [hbm4b:s20+s3], $0x80, $0x38;
	[tilespmem:$0x12000] =	vst v63  }
0x288: {  	s23 =	sadd.s32 $0x300, s8;
	s25 =	simm.s32 $0x7A80  }
0x289: {  	[tilespmem:s25], [sflag:$0x1] =	stream.linear.gather [hbm4b:s23+s3], $0x80, $0x38;
	[tilespmem:$0x12000] =	vst v63  }
0x28a: {  	s8 =	sadd.s32 $0x380, s8;
	s26 =	simm.s32 $0x7E80  }
0x28b: {  	[tilespmem:s26], [sflag:$0x1] =	stream.linear.gather [hbm4b:s8+s3], $0x80, $0x38;
	[tilespmem:$0x12000] =	vst v63  }
0x28c: {  	s9 =	simm.s32 $0x6300;
	s8 =	sadd.s32 s4, s6  }
0x28d: {  	[tilespmem:s9], [sflag:$0x1] =	stream.linear.gather [hbm4b:s8+s3], $0x80, $0x38;
	[tilespmem:$0x12000] =	vst v63  }
0x28e: {  	s20 =	simm.s32 $0x6700;
	s10 =	sadd.s32 $0x80, s8  }
0x28f: {  	[tilespmem:s20], [sflag:$0x1] =	stream.linear.gather [hbm4b:s10+s3], $0x80, $0x38;
	[tilespmem:$0x12000] =	vst v63  }
0x290: {  	s23 =	simm.s32 $0x6B00;
	s21 =	sadd.s32 $0x100, s8  }
0x291: {  	[tilespmem:s23], [sflag:$0x1] =	stream.linear.gather [hbm4b:s21+s3], $0x80, $0x38;
	[tilespmem:$0x12000] =	vst v63  }
0x292: {  	s26 =	simm.s32 $0x6F00;
	s25 =	sadd.s32 $0x180, s8  }
0x293: {  	[tilespmem:s26], [sflag:$0x1] =	stream.linear.gather [hbm4b:s25+s3], $0x80, $0x38;
	[tilespmem:$0x12000] =	vst v63  }
0x294: {  	s0 =	sadd.s32 $0x200, s8;
	s10 =	simm.s32 $0x7300  }
0x295: {  	[tilespmem:s10], [sflag:$0x1] =	stream.linear.gather [hbm4b:s0+s3], $0x80, $0x38;
	[tilespmem:$0x12000] =	vst v63  }
0x296: {  	s20 =	sadd.s32 $0x280, s8;
	s21 =	simm.s32 $0x7700  }
0x297: {  	[tilespmem:s21], [sflag:$0x1] =	stream.linear.gather [hbm4b:s20+s3], $0x80, $0x38;
	[tilespmem:$0x12000] =	vst v63  }
0x298: {  	s23 =	sadd.s32 $0x300, s8;
	s25 =	simm.s32 $0x7B00  }
0x299: {  	[tilespmem:s25], [sflag:$0x1] =	stream.linear.gather [hbm4b:s23+s3], $0x80, $0x38;
	[tilespmem:$0x12000] =	vst v63  }
0x29a: {  	s8 =	sadd.s32 $0x380, s8;
	s26 =	simm.s32 $0x7F00  }
0x29b: {  	[tilespmem:s26], [sflag:$0x1] =	stream.linear.gather [hbm4b:s8+s3], $0x80, $0x38;
	[tilespmem:$0x12000] =	vst v63  }
0x29c: {  	s4 =	sadd.s32 s4, s7;
	s9 =	simm.s32 $0x6380  }
0x29d: {  	[tilespmem:s9], [sflag:$0x1] =	stream.linear.gather [hbm4b:s4+s3], $0x80, $0x38;
	[tilespmem:$0x12000] =	vst v63  }
0x29e: {  	s10 =	sadd.s32 $0x80, s4;
	s20 =	simm.s32 $0x6780  }
0x29f: {  	[tilespmem:s20], [sflag:$0x1] =	stream.linear.gather [hbm4b:s10+s3], $0x80, $0x38;
	[tilespmem:$0x12000] =	vst v63  }
0x2a0: {  	s21 =	sadd.s32 $0x100, s4;
	s23 =	simm.s32 $0x6B80  }
0x2a1: {  	[tilespmem:s23], [sflag:$0x1] =	stream.linear.gather [hbm4b:s21+s3], $0x80, $0x38;
	[tilespmem:$0x12000] =	vst v63  }
0x2a2: {  	s25 =	sadd.s32 $0x180, s4;
	s26 =	simm.s32 $0x6F80  }
0x2a3: {  	[tilespmem:s26], [sflag:$0x1] =	stream.linear.gather [hbm4b:s25+s3], $0x80, $0x38;
	[tilespmem:$0x12000] =	vst v63  }
0x2a4: {  	s9 =	sadd.s32 $0x200, s4;
	s10 =	simm.s32 $0x7380  }
0x2a5: {  	[tilespmem:s10], [sflag:$0x1] =	stream.linear.gather [hbm4b:s9+s3], $0x80, $0x38;
	[tilespmem:$0x12000] =	vst v63  }
0x2a6: {  	s20 =	sadd.s32 $0x280, s4;
	s21 =	simm.s32 $0x7780  }
0x2a7: {  	[tilespmem:s21], [sflag:$0x1] =	stream.linear.gather [hbm4b:s20+s3], $0x80, $0x38;
	[tilespmem:$0x12000] =	vst v63  }
.Ltmp7:
0x2a8: {  	_ = 	snop;
	(pc) =	sbr.rel @p0 .LBB2_13-.Ltmp7, $4  }
0x2a9: {  	s23 =	sadd.s32 $0x300, s4;
	s25 =	simm.s32 $0x7B80  }
0x2aa: {  	[tilespmem:s25], [sflag:$0x1] =	stream.linear.gather [hbm4b:s23+s3], $0x80, $0x38;
	[tilespmem:$0x12000] =	vst v63  }
0x2ab: {  	s4 =	sadd.s32 $0x380, s4;
	s26 =	simm.s32 $0x7F80  }
0x2ac: {  	[tilespmem:s26], [sflag:$0x1] =	stream.linear.gather [hbm4b:s4+s3], $0x80, $0x38;
	[tilespmem:$0x12000] =	vst v63  }
.LBB2_12:
0x2ad: {  	_ =	swait.ge [sflag:s13], $0x4000  }
0x2ae: {  	[sflag:s13] =	ssyncset.done $0x0  }
0x2af: {  	[sflag:s13] =	ssyncadd.s32 $0xFFFFC000  }
.LBB2_13:
0x2b0: {  	_ =	swait.ge [sflag:s14], $0x2000;
	s20 =	simm.s32 $0x0;
	s10 =	simm.s32 $0x0  }
0x2b1: {  	[sflag:s14] =	ssyncset.done $0x0;
	s4 =	sand.u32 $0x380, s20;
	s23 =	sand.u32 $0x3FFFFC00, s10  }
0x2b2: {  	[sflag:s14] =	ssyncadd.s32 $0xFFFFE000;
	s23 =	sor.u32 s4, s23  }
0x2b3: {  	s8 =	simm.s32 $0x0;
	v7 =	vld [tilespmem:s23+$0x2070]  }
0x2b4: {  	s8 =	sand.u32 $0x3FFFFF80, s8;
	s9 =	sshll.u32 s4, $0x3;
	v10 =	vld [tilespmem:s23+$0x2000]  }
0x2b5: {  	s21 =	sadd.s32 s9, s8;
	v13 =	vld [tilespmem:s23+$0x2010]  }
0x2b6: {  	v6 =	vld [tilespmem:s21+$0x8070]  }
0x2b7: {  	v9 =	vld [tilespmem:s21+$0x8000]  }
0x2b8: {  	v12 =	vld [tilespmem:s21+$0x8010]  }
0x2b9: {  	s25 =	simm.s32 $0x0;
	v11 =	vld [tilespmem:s23+$0x2020]  }
0x2ba: {  	s26 =	sand.u32 $0x2000, s20;
	s4 =	sand.u32 $0x300, s25;
	v8 =	vld [tilespmem:s21+$0x8020]  }
0x2bb: {  	s4 =	sor.u32 s4, s26;
	v7 =	vmul.f32 v7, v6;
	v6 =	vld [tilespmem:s21+$0x8030]  }
0x2bc: {  	s25 =	sor.u32 s9, s4;
	v10 =	vmul.f32 v10, v9;
	v9 =	vld [tilespmem:s23+$0x2030]  }
0x2bd: {  	v12 =	vmul.f32 v13, v12;
	[tilespmem:s25+$0xE070] =	vst v7;
	v7 =	vld [tilespmem:s21+$0x8040]  }
0x2be: {  	s26 =	simm.s32 $0x0;
	s8 =	simm.s32 $0x0;
	[tilespmem:s25+$0xE000] =	vst v10;
	v10 =	vld [tilespmem:s23+$0x2040]  }
.LBB2_14:
0x2bf: {  	s26 =	sadd.s32 $0x8, s26;
	[tilespmem:s25+$0xE010] =	vst v12;
	v8 =	vmul.f32 v11, v8;
	v11 =	vld [tilespmem:s21+$0x8050];
	s20 =	sadd.s32 $0x80, s20  }
0x2c0: {  	s4 =	sand.u32 $0x380, s20;
	s9 =	sshll.u32 s26, $0x1;
	p0 =	slt.u32 s26, $0x1F8;
	v12 =	vld [tilespmem:s23+$0x2050]  }
0x2c1: {  	s0 =	sshll.u32 s26, $0x4;
	s10 =	sshll.u32 s4, $0x3;
	s9 =	sand.u32 $0x3FFFFF80, s9;
	[tilespmem:s25+$0xE020] =	vst v8;
	v6 =	vmul.f32 v9, v6;
	v8 =	vld [tilespmem:s21+$0x8060]  }
0x2c2: {  	s0 =	sand.u32 $0x3FFFFC00, s0;
	s21 =	sadd.s32 s10, s9;
	v9 =	vld [tilespmem:s23+$0x2060]  }
0x2c3: {  	s23 =	sor.u32 s4, s0;
	v13 =	vld [tilespmem:s21+$0x8070];
	[tilespmem:s25+$0xE030] =	vst v6;
	v6 =	vmul.f32 v10, v7  }
0x2c4: {  	v7 =	vld [tilespmem:s23+$0x2070]  }
0x2c5: {  	v10 =	vld [tilespmem:s21+$0x8000];
	[tilespmem:s25+$0xE040] =	vst v6;
	v6 =	vmul.f32 v12, v11  }
0x2c6: {  	v12 =	vld [tilespmem:s23+$0x2000]  }
0x2c7: {  	s8 =	sadd.s32 $0x100, s8;
	s0 =	sshll.u32 s26, $0x2;
	v14 =	vld [tilespmem:s21+$0x8010];
	[tilespmem:s25+$0xE050] =	vst v6;
	v6 =	vmul.f32 v9, v8  }
0x2c8: {  	s4 =	sand.u32 $0x2000, s8;
	s0 =	sand.u32 $0x300, s0;
	v15 =	vld [tilespmem:s23+$0x2010]  }
0x2c9: {  	s0 =	sor.u32 s0, s4;
	v8 =	vld [tilespmem:s21+$0x8020];
	v7 =	vmul.f32 v7, v13;
	[tilespmem:s25+$0xE060] =	vst v6  }
.Ltmp8:
0x2ca: {  	s25 =	sor.u32 s10, s0;
	v11 =	vld [tilespmem:s23+$0x2020];
	(pc) =	sbr.rel @p0 .LBB2_14-.Ltmp8, $4  }
0x2cb: {  	v10 =	vmul.f32 v12, v10;
	v6 =	vld [tilespmem:s21+$0x8030];
	[tilespmem:s25+$0xE070] =	vst v7  }
0x2cc: {  	v9 =	vld [tilespmem:s23+$0x2030]  }
0x2cd: {  	[tilespmem:s25+$0xE000] =	vst v10;
	v12 =	vmul.f32 v15, v14;
	v7 =	vld [tilespmem:s21+$0x8040]  }
0x2ce: {  	v10 =	vld [tilespmem:s23+$0x2040]  }
0x2cf: {  	v13 =	vld [tilespmem:s21+$0x8050]  }
0x2d0: {  	v14 =	vld [tilespmem:s23+$0x2050]  }
0x2d1: {  	v15 =	vld [tilespmem:s21+$0x8060]  }
0x2d2: {  	v16 =	vld [tilespmem:s23+$0x2060]  }
0x2d3: {  	v8 =	vmul.f32 v11, v8  }
0x2d4: {  	[tilespmem:s25+$0xE010] =	vst v12;
	v6 =	vmul.f32 v9, v6  }
0x2d5: {  	[tilespmem:s25+$0xE020] =	vst v8;
	v7 =	vmul.f32 v10, v7  }
.Ltmp9:
0x2d6: {  	[tilespmem:s25+$0xE030] =	vst v6;
	v6 =	vmul.f32 v14, v13;
	(pc) =	sbr.rel @p1 .LBB2_17-.Ltmp9, $4  }
0x2d7: {  	[tilespmem:s25+$0xE040] =	vst v7;
	v7 =	vmul.f32 v16, v15  }
0x2d8: {  	[tilespmem:s25+$0xE050] =	vst v6  }
0x2d9: {  	s0 =	sadd.s32 s19, s29;
	[tilespmem:s25+$0xE060] =	vst v7  }
0x2da: {  	[hbm4b:s0+s3] =	stream.linear.scatter [tilespmem:s15], [sflag:$0x4], $0x4000, $0x38;
	[tilespmem:$0x12000] =	vst v63  }
0x2db: {  	s8 =	sadd.s32 $0x100000, s18  }
0x2dc: {  	s0 =	sor.u32 s30, s8  }
0x2dd: {  	s0 =	sshrl.u32 s0, $0x3  }
0x2de: {  	s9 =	simm.s32 $0x8000;
	s4 =	sadd.s32 s2, s0  }
0x2df: {  	[tilespmem:s9], [sflag:$0x2] =	stream.linear.gather [hbm4b:s4+s3], $0x80, $0x38;
	[tilespmem:$0x12000] =	vst v63  }
0x2e0: {  	s10 =	simm.s32 $0x8400;
	s26 =	sadd.s32 $0x80, s4  }
0x2e1: {  	[tilespmem:s10], [sflag:$0x2] =	stream.linear.gather [hbm4b:s26+s3], $0x80, $0x38;
	[tilespmem:$0x12000] =	vst v63  }
0x2e2: {  	s18 =	simm.s32 $0x8800;
	s10 =	sadd.s32 $0x100, s4  }
0x2e3: {  	[tilespmem:s18], [sflag:$0x2] =	stream.linear.gather [hbm4b:s10+s3], $0x80, $0x38;
	[tilespmem:$0x12000] =	vst v63  }
0x2e4: {  	s20 =	simm.s32 $0x8C00;
	s19 =	sadd.s32 $0x180, s4  }
0x2e5: {  	[tilespmem:s20], [sflag:$0x2] =	stream.linear.gather [hbm4b:s19+s3], $0x80, $0x38;
	[tilespmem:$0x12000] =	vst v63  }
0x2e6: {  	s23 =	simm.s32 $0x9000;
	s21 =	sadd.s32 $0x200, s4  }
0x2e7: {  	[tilespmem:s23], [sflag:$0x2] =	stream.linear.gather [hbm4b:s21+s3], $0x80, $0x38;
	[tilespmem:$0x12000] =	vst v63  }
0x2e8: {  	s25 =	sadd.s32 $0x280, s4;
	s26 =	simm.s32 $0x9400  }
0x2e9: {  	[tilespmem:s26], [sflag:$0x2] =	stream.linear.gather [hbm4b:s25+s3], $0x80, $0x38;
	[tilespmem:$0x12000] =	vst v63  }
0x2ea: {  	s10 =	sadd.s32 $0x300, s4;
	s18 =	simm.s32 $0x9800  }
0x2eb: {  	[tilespmem:s18], [sflag:$0x2] =	stream.linear.gather [hbm4b:s10+s3], $0x80, $0x38;
	[tilespmem:$0x12000] =	vst v63  }
0x2ec: {  	s4 =	sadd.s32 $0x380, s4;
	s19 =	simm.s32 $0x9C00  }
0x2ed: {  	[tilespmem:s19], [sflag:$0x2] =	stream.linear.gather [hbm4b:s4+s3], $0x80, $0x38;
	[tilespmem:$0x12000] =	vst v63  }
0x2ee: {  	s20 =	simm.s32 $0x8080;
	s4 =	sadd.s32 s0, s5  }
0x2ef: {  	[tilespmem:s20], [sflag:$0x2] =	stream.linear.gather [hbm4b:s4+s3], $0x80, $0x38;
	[tilespmem:$0x12000] =	vst v63  }
0x2f0: {  	s23 =	simm.s32 $0x8480;
	s21 =	sadd.s32 $0x80, s4  }
0x2f1: {  	[tilespmem:s23], [sflag:$0x2] =	stream.linear.gather [hbm4b:s21+s3], $0x80, $0x38;
	[tilespmem:$0x12000] =	vst v63  }
0x2f2: {  	s26 =	simm.s32 $0x8880;
	s25 =	sadd.s32 $0x100, s4  }
0x2f3: {  	[tilespmem:s26], [sflag:$0x2] =	stream.linear.gather [hbm4b:s25+s3], $0x80, $0x38;
	[tilespmem:$0x12000] =	vst v63  }
0x2f4: {  	s18 =	simm.s32 $0x8C80;
	s10 =	sadd.s32 $0x180, s4  }
0x2f5: {  	[tilespmem:s18], [sflag:$0x2] =	stream.linear.gather [hbm4b:s10+s3], $0x80, $0x38;
	[tilespmem:$0x12000] =	vst v63  }
0x2f6: {  	s19 =	sadd.s32 $0x200, s4;
	s20 =	simm.s32 $0x9080  }
0x2f7: {  	[tilespmem:s20], [sflag:$0x2] =	stream.linear.gather [hbm4b:s19+s3], $0x80, $0x38;
	[tilespmem:$0x12000] =	vst v63  }
0x2f8: {  	s21 =	sadd.s32 $0x280, s4;
	s23 =	simm.s32 $0x9480  }
0x2f9: {  	[tilespmem:s23], [sflag:$0x2] =	stream.linear.gather [hbm4b:s21+s3], $0x80, $0x38;
	[tilespmem:$0x12000] =	vst v63  }
0x2fa: {  	s25 =	sadd.s32 $0x300, s4;
	s26 =	simm.s32 $0x9880  }
0x2fb: {  	[tilespmem:s26], [sflag:$0x2] =	stream.linear.gather [hbm4b:s25+s3], $0x80, $0x38;
	[tilespmem:$0x12000] =	vst v63  }
0x2fc: {  	s4 =	sadd.s32 $0x380, s4;
	s10 =	simm.s32 $0x9C80  }
0x2fd: {  	[tilespmem:s10], [sflag:$0x2] =	stream.linear.gather [hbm4b:s4+s3], $0x80, $0x38;
	[tilespmem:$0x12000] =	vst v63  }
0x2fe: {  	s18 =	simm.s32 $0x8100;
	s4 =	sadd.s32 s0, s6  }
0x2ff: {  	[tilespmem:s18], [sflag:$0x2] =	stream.linear.gather [hbm4b:s4+s3], $0x80, $0x38;
	[tilespmem:$0x12000] =	vst v63  }
0x300: {  	s20 =	simm.s32 $0x8500;
	s19 =	sadd.s32 $0x80, s4  }
0x301: {  	[tilespmem:s20], [sflag:$0x2] =	stream.linear.gather [hbm4b:s19+s3], $0x80, $0x38;
	[tilespmem:$0x12000] =	vst v63  }
0x302: {  	s23 =	simm.s32 $0x8900;
	s21 =	sadd.s32 $0x100, s4  }
0x303: {  	[tilespmem:s23], [sflag:$0x2] =	stream.linear.gather [hbm4b:s21+s3], $0x80, $0x38;
	[tilespmem:$0x12000] =	vst v63  }
0x304: {  	s26 =	simm.s32 $0x8D00;
	s25 =	sadd.s32 $0x180, s4  }
0x305: {  	[tilespmem:s26], [sflag:$0x2] =	stream.linear.gather [hbm4b:s25+s3], $0x80, $0x38;
	[tilespmem:$0x12000] =	vst v63  }
0x306: {  	s18 =	sadd.s32 $0x200, s4;
	s19 =	simm.s32 $0x9100  }
0x307: {  	[tilespmem:s19], [sflag:$0x2] =	stream.linear.gather [hbm4b:s18+s3], $0x80, $0x38;
	[tilespmem:$0x12000] =	vst v63  }
0x308: {  	s20 =	sadd.s32 $0x280, s4;
	s21 =	simm.s32 $0x9500  }
0x309: {  	[tilespmem:s21], [sflag:$0x2] =	stream.linear.gather [hbm4b:s20+s3], $0x80, $0x38;
	[tilespmem:$0x12000] =	vst v63  }
0x30a: {  	s23 =	sadd.s32 $0x300, s4;
	s25 =	simm.s32 $0x9900  }
0x30b: {  	[tilespmem:s25], [sflag:$0x2] =	stream.linear.gather [hbm4b:s23+s3], $0x80, $0x38;
	[tilespmem:$0x12000] =	vst v63  }
0x30c: {  	s4 =	sadd.s32 $0x380, s4;
	s26 =	simm.s32 $0x9D00  }
0x30d: {  	[tilespmem:s26], [sflag:$0x2] =	stream.linear.gather [hbm4b:s4+s3], $0x80, $0x38;
	[tilespmem:$0x12000] =	vst v63  }
0x30e: {  	s9 =	simm.s32 $0x8180;
	s0 =	sadd.s32 s0, s7  }
0x30f: {  	[tilespmem:s9], [sflag:$0x2] =	stream.linear.gather [hbm4b:s0+s3], $0x80, $0x38;
	[tilespmem:$0x12000] =	vst v63  }
0x310: {  	s10 =	sadd.s32 $0x80, s0;
	s18 =	simm.s32 $0x8580  }
0x311: {  	[tilespmem:s18], [sflag:$0x2] =	stream.linear.gather [hbm4b:s10+s3], $0x80, $0x38;
	[tilespmem:$0x12000] =	vst v63  }
0x312: {  	s19 =	sadd.s32 $0x100, s0;
	s20 =	simm.s32 $0x8980  }
0x313: {  	[tilespmem:s20], [sflag:$0x2] =	stream.linear.gather [hbm4b:s19+s3], $0x80, $0x38;
	[tilespmem:$0x12000] =	vst v63  }
0x314: {  	s21 =	sadd.s32 $0x180, s0;
	s23 =	simm.s32 $0x8D80  }
0x315: {  	[tilespmem:s23], [sflag:$0x2] =	stream.linear.gather [hbm4b:s21+s3], $0x80, $0x38;
	[tilespmem:$0x12000] =	vst v63  }
0x316: {  	s25 =	sadd.s32 $0x200, s0;
	s26 =	simm.s32 $0x9180  }
0x317: {  	[tilespmem:s26], [sflag:$0x2] =	stream.linear.gather [hbm4b:s25+s3], $0x80, $0x38;
	[tilespmem:$0x12000] =	vst v63  }
0x318: {  	s9 =	sadd.s32 $0x280, s0;
	s10 =	simm.s32 $0x9580  }
0x319: {  	[tilespmem:s10], [sflag:$0x2] =	stream.linear.gather [hbm4b:s9+s3], $0x80, $0x38;
	[tilespmem:$0x12000] =	vst v63  }
0x31a: {  	s18 =	sadd.s32 $0x300, s0;
	s19 =	simm.s32 $0x9980  }
0x31b: {  	[tilespmem:s19], [sflag:$0x2] =	stream.linear.gather [hbm4b:s18+s3], $0x80, $0x38;
	[tilespmem:$0x12000] =	vst v63  }
0x31c: {  	s0 =	sadd.s32 $0x380, s0;
	s20 =	simm.s32 $0x9D80;
	s21 =	sor.u32 s31, s8  }
0x31d: {  	[tilespmem:s20], [sflag:$0x2] =	stream.linear.gather [hbm4b:s0+s3], $0x80, $0x38;
	[tilespmem:$0x12000] =	vst v63  }
0x31e: {  	s0 =	sshrl.u32 s21, $0x3  }
0x31f: {  	s23 =	simm.s32 $0x8200;
	s4 =	sadd.s32 s2, s0  }
0x320: {  	[tilespmem:s23], [sflag:$0x2] =	stream.linear.gather [hbm4b:s4+s3], $0x80, $0x38;
	[tilespmem:$0x12000] =	vst v63  }
0x321: {  	s26 =	simm.s32 $0x8600;
	s25 =	sadd.s32 $0x80, s4  }
0x322: {  	[tilespmem:s26], [sflag:$0x2] =	stream.linear.gather [hbm4b:s25+s3], $0x80, $0x38;
	[tilespmem:$0x12000] =	vst v63  }
0x323: {  	s18 =	simm.s32 $0x8A00;
	s10 =	sadd.s32 $0x100, s4  }
0x324: {  	[tilespmem:s18], [sflag:$0x2] =	stream.linear.gather [hbm4b:s10+s3], $0x80, $0x38;
	[tilespmem:$0x12000] =	vst v63  }
0x325: {  	s20 =	simm.s32 $0x8E00;
	s19 =	sadd.s32 $0x180, s4  }
0x326: {  	[tilespmem:s20], [sflag:$0x2] =	stream.linear.gather [hbm4b:s19+s3], $0x80, $0x38;
	[tilespmem:$0x12000] =	vst v63  }
0x327: {  	s21 =	sadd.s32 $0x200, s4;
	s23 =	simm.s32 $0x9200  }
0x328: {  	[tilespmem:s23], [sflag:$0x2] =	stream.linear.gather [hbm4b:s21+s3], $0x80, $0x38;
	[tilespmem:$0x12000] =	vst v63  }
0x329: {  	s25 =	sadd.s32 $0x280, s4;
	s26 =	simm.s32 $0x9600  }
0x32a: {  	[tilespmem:s26], [sflag:$0x2] =	stream.linear.gather [hbm4b:s25+s3], $0x80, $0x38;
	[tilespmem:$0x12000] =	vst v63  }
0x32b: {  	s10 =	sadd.s32 $0x300, s4;
	s18 =	simm.s32 $0x9A00  }
0x32c: {  	[tilespmem:s18], [sflag:$0x2] =	stream.linear.gather [hbm4b:s10+s3], $0x80, $0x38;
	[tilespmem:$0x12000] =	vst v63  }
0x32d: {  	s4 =	sadd.s32 $0x380, s4;
	s19 =	simm.s32 $0x9E00  }
0x32e: {  	[tilespmem:s19], [sflag:$0x2] =	stream.linear.gather [hbm4b:s4+s3], $0x80, $0x38;
	[tilespmem:$0x12000] =	vst v63  }
0x32f: {  	s20 =	simm.s32 $0x8280;
	s4 =	sadd.s32 s0, s5  }
0x330: {  	[tilespmem:s20], [sflag:$0x2] =	stream.linear.gather [hbm4b:s4+s3], $0x80, $0x38;
	[tilespmem:$0x12000] =	vst v63  }
0x331: {  	s23 =	simm.s32 $0x8680;
	s21 =	sadd.s32 $0x80, s4  }
0x332: {  	[tilespmem:s23], [sflag:$0x2] =	stream.linear.gather [hbm4b:s21+s3], $0x80, $0x38;
	[tilespmem:$0x12000] =	vst v63  }
0x333: {  	s26 =	simm.s32 $0x8A80;
	s25 =	sadd.s32 $0x100, s4  }
0x334: {  	[tilespmem:s26], [sflag:$0x2] =	stream.linear.gather [hbm4b:s25+s3], $0x80, $0x38;
	[tilespmem:$0x12000] =	vst v63  }
0x335: {  	s18 =	simm.s32 $0x8E80;
	s10 =	sadd.s32 $0x180, s4  }
0x336: {  	[tilespmem:s18], [sflag:$0x2] =	stream.linear.gather [hbm4b:s10+s3], $0x80, $0x38;
	[tilespmem:$0x12000] =	vst v63  }
0x337: {  	s19 =	sadd.s32 $0x200, s4;
	s20 =	simm.s32 $0x9280  }
0x338: {  	[tilespmem:s20], [sflag:$0x2] =	stream.linear.gather [hbm4b:s19+s3], $0x80, $0x38;
	[tilespmem:$0x12000] =	vst v63  }
0x339: {  	s21 =	sadd.s32 $0x280, s4;
	s23 =	simm.s32 $0x9680  }
0x33a: {  	[tilespmem:s23], [sflag:$0x2] =	stream.linear.gather [hbm4b:s21+s3], $0x80, $0x38;
	[tilespmem:$0x12000] =	vst v63  }
0x33b: {  	s25 =	sadd.s32 $0x300, s4;
	s26 =	simm.s32 $0x9A80  }
0x33c: {  	[tilespmem:s26], [sflag:$0x2] =	stream.linear.gather [hbm4b:s25+s3], $0x80, $0x38;
	[tilespmem:$0x12000] =	vst v63  }
0x33d: {  	s4 =	sadd.s32 $0x380, s4;
	s10 =	simm.s32 $0x9E80  }
0x33e: {  	[tilespmem:s10], [sflag:$0x2] =	stream.linear.gather [hbm4b:s4+s3], $0x80, $0x38;
	[tilespmem:$0x12000] =	vst v63  }
0x33f: {  	s18 =	simm.s32 $0x8300;
	s4 =	sadd.s32 s0, s6  }
0x340: {  	[tilespmem:s18], [sflag:$0x2] =	stream.linear.gather [hbm4b:s4+s3], $0x80, $0x38;
	[tilespmem:$0x12000] =	vst v63  }
0x341: {  	s20 =	simm.s32 $0x8700;
	s19 =	sadd.s32 $0x80, s4  }
0x342: {  	[tilespmem:s20], [sflag:$0x2] =	stream.linear.gather [hbm4b:s19+s3], $0x80, $0x38;
	[tilespmem:$0x12000] =	vst v63  }
0x343: {  	s23 =	simm.s32 $0x8B00;
	s21 =	sadd.s32 $0x100, s4  }
0x344: {  	[tilespmem:s23], [sflag:$0x2] =	stream.linear.gather [hbm4b:s21+s3], $0x80, $0x38;
	[tilespmem:$0x12000] =	vst v63  }
0x345: {  	s26 =	simm.s32 $0x8F00;
	s25 =	sadd.s32 $0x180, s4  }
0x346: {  	[tilespmem:s26], [sflag:$0x2] =	stream.linear.gather [hbm4b:s25+s3], $0x80, $0x38;
	[tilespmem:$0x12000] =	vst v63  }
0x347: {  	s10 =	sadd.s32 $0x200, s4;
	s18 =	simm.s32 $0x9300  }
0x348: {  	[tilespmem:s18], [sflag:$0x2] =	stream.linear.gather [hbm4b:s10+s3], $0x80, $0x38;
	[tilespmem:$0x12000] =	vst v63  }
0x349: {  	s19 =	sadd.s32 $0x280, s4;
	s20 =	simm.s32 $0x9700  }
0x34a: {  	[tilespmem:s20], [sflag:$0x2] =	stream.linear.gather [hbm4b:s19+s3], $0x80, $0x38;
	[tilespmem:$0x12000] =	vst v63  }
0x34b: {  	s21 =	sadd.s32 $0x300, s4;
	s23 =	simm.s32 $0x9B00  }
0x34c: {  	[tilespmem:s23], [sflag:$0x2] =	stream.linear.gather [hbm4b:s21+s3], $0x80, $0x38;
	[tilespmem:$0x12000] =	vst v63  }
0x34d: {  	s4 =	sadd.s32 $0x380, s4;
	s25 =	simm.s32 $0x9F00  }
0x34e: {  	[tilespmem:s25], [sflag:$0x2] =	stream.linear.gather [hbm4b:s4+s3], $0x80, $0x38;
	[tilespmem:$0x12000] =	vst v63  }
0x34f: {  	s0 =	sadd.s32 s0, s7;
	s26 =	simm.s32 $0x8380  }
0x350: {  	[tilespmem:s26], [sflag:$0x2] =	stream.linear.gather [hbm4b:s0+s3], $0x80, $0x38;
	[tilespmem:$0x12000] =	vst v63  }
0x351: {  	s9 =	simm.s32 $0x8780;
	s8 =	sadd.s32 $0x80, s0  }
0x352: {  	[tilespmem:s9], [sflag:$0x2] =	stream.linear.gather [hbm4b:s8+s3], $0x80, $0x38;
	[tilespmem:$0x12000] =	vst v63  }
0x353: {  	s10 =	sadd.s32 $0x100, s0;
	s18 =	simm.s32 $0x8B80  }
0x354: {  	[tilespmem:s18], [sflag:$0x2] =	stream.linear.gather [hbm4b:s10+s3], $0x80, $0x38;
	[tilespmem:$0x12000] =	vst v63  }
0x355: {  	s19 =	sadd.s32 $0x180, s0;
	s20 =	simm.s32 $0x8F80  }
0x356: {  	[tilespmem:s20], [sflag:$0x2] =	stream.linear.gather [hbm4b:s19+s3], $0x80, $0x38;
	[tilespmem:$0x12000] =	vst v63  }
0x357: {  	s21 =	sadd.s32 $0x200, s0;
	s23 =	simm.s32 $0x9380  }
0x358: {  	[tilespmem:s23], [sflag:$0x2] =	stream.linear.gather [hbm4b:s21+s3], $0x80, $0x38;
	[tilespmem:$0x12000] =	vst v63  }
0x359: {  	s25 =	sadd.s32 $0x280, s0  }
0x35a: {  	[tilespmem:s1], [sflag:$0x2] =	stream.linear.gather [hbm4b:s25+s3], $0x80, $0x38;
	[tilespmem:$0x12000] =	vst v63  }
.Ltmp10:
0x35b: {  	_ = 	snop;
	(pc) =	sbr.rel .LBB2_8-.Ltmp10, $4  }
0x35c: {  	s26 =	sadd.s32 $0x300, s0  }
0x35d: {  	[tilespmem:s11], [sflag:$0x2] =	stream.linear.gather [hbm4b:s26+s3], $0x80, $0x38;
	[tilespmem:$0x12000] =	vst v63  }
0x35e: {  	s17 =	sadd.s32 $0x1, s17;
	s0 =	sadd.s32 $0x380, s0  }
0x35f: {  	[tilespmem:s12], [sflag:$0x2] =	stream.linear.gather [hbm4b:s0+s3], $0x80, $0x38;
	[tilespmem:$0x12000] =	vst v63  }
.LBB2_18:
0x360: {  	_ =	sfence.sel $0x180000  }
0x361: {  	[bflag:$0x0] =	sbarrier.arrive $0xFFFF  }
0x362: {  	_ =	strace $0x90000047  }
0x363: {  	s0 =	stileid.u32;
	[bflag:$0x2] =	sbarrier.arrive $0xFFFF  }
0x364: {  	p0 =	sne.s32 s0, $0x0;
	s0 =	rddreg [dreg:$0x3]  }
0x365: {  	s0 =	sadd.s32 @!p0 $0x100000, s0  }
0x366: {  	[sflag:s0] =	ssyncadd.tile.s32 @!p0 $0x1;
	_ =	shalt  }
.Lfunc_end2:
_tile_overlayer_lowered:
.L_overlay_start_2:
0x367: {  	(tag) =	ssettag $0x2  }
0x368: {  	s0 =	rddreg [dreg:$0x0];
	s2 =	stileid.u32  }
0x369: {  	s1 =	rddreg [dreg:$0x1];
	p0 =	sne.s32 s2, $0x0  }
0x36a: {  	s3 =	rddreg [dreg:$0x2];
	[bflag:$0x3] =	sbarrier.arrive $0xFFFF;
	s2 =	simm.s32 @!p0 $0x1C05  }
0x36b: {  	[timem:s3], [sflag:s2] =	dma.local @!p0 [hbm:s0], s1  }
0x36c: {  	s0 =	simm.s32 @!p0 $0x5  }
0x36d: {  	_ =	swait.ge @!p0 [sflag:s0], s1  }
0x36e: {  	s1 =	ssub.s32 @!p0 $0x0, s1;
	[sflag:s0] =	ssyncset.done @!p0 $0x0  }
0x36f: {  	[sflag:s0] =	ssyncadd.s32 @!p0 s1  }
0x370: {  	[bflag:$0x3] =	sbarrier.arrive $0xFFFF  }
0x371: {  	_ =	shalt  }

</sc_bundles>
